<compile_context>
chip_gen: v7x
topology: tpu7x:2x2x1
jax: 0.10.2.dev20260603
libtpu: 0.0.44.dev20260713+nightly
codegen_flags: <defaults>
</compile_context>

<pallas_src>
import functools

import jax
import jax.numpy as jnp
from jax import lax
from jax.experimental import pallas as pl
from jax.experimental.pallas import tpu as pltpu
from jax.experimental.pallas import tpu_sc as plsc

_K = 8192
_D = 32
_BETA = 0.25
_L = 512


def _argmin_body(x2_ref, w2_ref, z_ref, wneg_ref, idx_ref, dsum_ref):
    i = pl.program_id(0)
    zb = z_ref[0]
    wneg = wneg_ref[...]
    sneg = lax.dot_general(wneg, zb, (((1,), (0,)), ((), ())),
                           preferred_element_type=jnp.float32)
    t = x2_ref[0] + w2_ref[...]
    h = _K // 2
    q = _K // 4
    e = _K // 8
    dist = t + sneg
    de = [dist[a * e:(a + 1) * e] for a in range(8)]
    me = [jnp.min(d, axis=0, keepdims=True) for d in de]
    m1 = jnp.minimum(jnp.minimum(me[0], me[1]), jnp.minimum(me[2], me[3]))
    m2 = jnp.minimum(jnp.minimum(me[4], me[5]), jnp.minimum(me[6], me[7]))
    m1b = m1.astype(jnp.bfloat16).astype(jnp.float32)
    pick2 = m2 < m1b
    mwin = jnp.where(pick2, m2, m1)
    sel = [me[2 * a + 1] < me[2 * a] for a in range(4)]
    dp = [jnp.where(sel[a], de[2 * a + 1], de[2 * a]) for a in range(4)]
    mp = [jnp.minimum(me[2 * a], me[2 * a + 1]) for a in range(4)]
    sel2 = [mp[1] < mp[0], mp[3] < mp[2]]
    dq = [jnp.where(sel2[0], dp[1], dp[0]),
          jnp.where(sel2[1], dp[3], dp[2])]
    dwin = jnp.where(pick2, dq[1], dq[0])
    kio = lax.broadcasted_iota(jnp.int32, dwin.shape, 0)
    j = jnp.min(jnp.where(dwin == mwin, kio, _K), axis=0, keepdims=True)
    e0 = jnp.where(sel[0], 1, 0)
    e1 = jnp.where(sel[1], 3, 2)
    e2 = jnp.where(sel[2], 5, 4)
    e3 = jnp.where(sel[3], 7, 6)
    elo = jnp.where(sel2[0], e1, e0)
    ehi = jnp.where(sel2[1], e3, e2)
    idx = j + jnp.where(pick2, ehi, elo) * e
    idx_ref[...] = idx.reshape(1, 1, _L)

    @pl.when(i == 0)
    def _init():
        dsum_ref[...] = jnp.zeros((1, 1), jnp.float32)

    dsum_ref[...] += jnp.sum(mwin, axis=(0, 1), keepdims=True)


def _argmin_call(x2, w2, z3, wneg):
    b, _, hw = z3.shape
    c = hw // _L
    grid = b * c
    return pl.pallas_call(
        _argmin_body,
        grid=(grid,),
        in_specs=[
            pl.BlockSpec((1, 1, _L), lambda i: (i // c, 0, i % c)),
            pl.BlockSpec((_K, 1), lambda i: (0, 0)),
            pl.BlockSpec((1, _D, _L), lambda i: (i // c, 0, i % c)),
            pl.BlockSpec((_K, _D), lambda i: (0, 0)),
        ],
        out_specs=[
            pl.BlockSpec((1, 1, _L), lambda i: (i // c, 0, i % c)),
            pl.BlockSpec((1, 1), lambda i: (0, 0)),
        ],
        out_shape=[
            jax.ShapeDtypeStruct((b, 1, hw), jnp.int32),
            jax.ShapeDtypeStruct((1, 1), jnp.float32),
        ],
    )(x2, w2, z3, wneg)


def _make_gather(n):
    info = plsc.get_sparse_core_info()
    nw = info.num_cores * info.num_subcores
    b_per_w = n // nw
    chunk = 128
    nchunk = b_per_w // chunk
    mesh = plsc.VectorSubcoreMesh(core_axis_name="c", subcore_axis_name="s")

    @functools.partial(
        pl.kernel,
        mesh=mesh,
        out_type=jax.ShapeDtypeStruct((n, _D), jnp.float32),
        scratch_types=[
            pltpu.VMEM((nchunk, chunk), jnp.int32),
            pltpu.VMEM((chunk, _D), jnp.float32),
            pltpu.SemaphoreType.DMA,
        ],
        compiler_params=pltpu.CompilerParams(use_tc_tiling_on_sc=False),
    )
    def gather(table_hbm, idx_hbm, out_hbm, idx_v, rows_v, sem):
        wid = lax.axis_index("s") * info.num_cores + lax.axis_index("c")
        base = wid * b_per_w
        for j in range(nchunk):
            pltpu.sync_copy(idx_hbm.at[pl.ds(base + j * chunk, chunk)],
                            idx_v.at[j])
        for j in range(nchunk):
            pltpu.async_copy(table_hbm.at[idx_v.at[j]], rows_v, sem).wait()
            pltpu.sync_copy(rows_v,
                            out_hbm.at[pl.ds(base + j * chunk, chunk)])

    return gather


def kernel(z, embedding):
    b, c, h, w = z.shape
    hw = h * w
    n = b * hw
    emb = embedding.astype(jnp.float32)
    z3 = z.astype(jnp.float32).reshape(b, c, hw)

    x2 = jnp.sum(z3 * z3, axis=1, keepdims=True)
    w2 = jnp.sum(emb ** 2, axis=1, keepdims=True)
    wneg = -2.0 * emb

    idx3, dsum = _argmin_call(x2, w2, z3, wneg)
    idx = idx3.reshape(-1)

    z_q_flat = _make_gather(n)(emb, idx)
    z_q = z_q_flat.reshape(b, h, w, c)
    z_q_out = jnp.transpose(z_q, (0, 3, 1, 2))

    loss = (_BETA / (n * _D)) * dsum[0, 0]
    return (z_q_out, idx, loss)

# --- scband reference (transcript-rebuilt; emitter-appended) ---
"""Pipeline reference for scband-efficient-vqgan-54949811585632 (READ-ONLY COPY).

The authoritative reference and input builder live on the scoring server;
editing this copy changes nothing except your own understanding.
"""

import jax, jax.numpy as jnp
import numpy as np

K = 8192
D = 32
BETA = 0.25


def setup_inputs(seed: int = 0) -> dict:
    key = jax.random.key(seed)
    k1, k2 = jax.random.split(key)
    z = jax.random.normal(k1, (16, 32, 32, 32), dtype=jnp.float32)
    embedding = jax.random.normal(k2, (K, D), dtype=jnp.float32) * (D ** -0.5)
    return {"z": z, "embedding": embedding}


def reference(z, embedding):
    # z: [B, C, H, W] with C == D (latent_dim)
    B, C, H, W = z.shape
    z_nhwc = jnp.transpose(z, (0, 2, 3, 1))
    flat = z_nhwc.reshape(-1, embedding.shape[1])
    # index assignment is done under no_grad in torch
    f = jax.lax.stop_gradient(flat).astype(jnp.float32)
    w = embedding.astype(jnp.float32)
    x2 = jnp.sum(f ** 2, axis=1, keepdims=True)
    w2 = jnp.sum(w ** 2, axis=1)
    dist = x2 + w2[None, :] - 2.0 * (f @ w.T)
    idx = jnp.argmin(dist, axis=1)
    # embedding lookup (gather)
    z_q = jnp.take(embedding, idx, axis=0).reshape(z_nhwc.shape)
    # commitment loss (z_q detached in torch)
    commitment_loss = BETA * jnp.mean(
        (z_nhwc.astype(jnp.float32) - jax.lax.stop_gradient(z_q).astype(jnp.float32)) ** 2
    )
    loss = commitment_loss
    # straight-through estimator
    z_q_st = z_nhwc + jax.lax.stop_gradient(z_q - z_nhwc)
    z_q_out = jnp.transpose(z_q_st, (0, 3, 1, 2))
    return (z_q_out, idx, loss)

if __name__ == "__main__":
    import jax
    _d = setup_inputs()
    print(jax.jit(kernel)(*tuple(_d.values())))

</pallas_src>

<mosaic_0001>
#map = affine_map<(d0, d1) -> (0, 0)>
#map1 = affine_map<(d0, d1) -> (0)>
module attributes {stable_mosaic.version = 14 : i64} {
  func.func @gather(%arg0: i32, %arg1: i32, %arg2: memref<8192x32xf32, #tpu.memory_space<hbm>>, %arg3: memref<16384xi32, #tpu.memory_space<hbm>>, %arg4: memref<16384x32xf32, #tpu.memory_space<hbm>>, %arg5: memref<4x128xi32, #tpu.memory_space<vmem>>, %arg6: memref<128x32xf32, #tpu.memory_space<vmem>>, %arg7: memref<!tpu.dma_semaphore, #tpu.memory_space<semaphore_mem>>) attributes {dimension_semantics = [#tpu.dimension_semantics<core_parallel>, #tpu.dimension_semantics<subcore_parallel>], iteration_bounds = array<i64: 2, 16>, scalar_prefetch = 0 : i64, scratch_operands = 3 : i64, tpu.core_type = #tpu.core_type<sc_vector_subcore>, window_params = [{transform_indices = #map}, {transform_indices = #map1}, {transform_indices = #map}]} {
    %mul3A = arith.constant 2 : i32
    %mul3A_0 = arith.muli %arg1, %mul3A : i32
    %add3A = arith.addi %mul3A_0, %arg0 : i32
    %mul3A_1 = arith.constant 512 : i32
    %mul3A_2 = arith.muli %add3A, %mul3A_1 : i32
    %add3A_3 = arith.constant 0 : i32
    %add3A_4 = arith.addi %mul3A_2, %add3A_3 : i32
    %run_scoped3A = arith.constant 0 : i32
    "tpu.region"() ({
      %run_scoped3A_76 = tpu.sem_alloc : memref<!tpu.dma_semaphore, #tpu.memory_space<semaphore_mem>>
      %dma_start3A_77 = arith.constant 0 : i32
      %dma_start3A_78 = tpu.memref_slice %arg5[%run_scoped3A, %dma_start3A_77] : memref<4x128xi32, #tpu.memory_space<vmem>> -> memref<1x128xi32, #tpu.memory_space<vmem>>
      %dma_start3A_79 = tpu.memref_squeeze %dma_start3A_78 : memref<1x128xi32, #tpu.memory_space<vmem>> -> memref<128xi32, #tpu.memory_space<vmem>>
      %dma_start3A_80 = tpu.memref_slice %arg3[%add3A_4] : memref<16384xi32, #tpu.memory_space<hbm>> -> memref<128xi32, #tpu.memory_space<hbm>>
      %dma_start3A_81 = arith.constant 0 : i32
      %dma_start3A_82 = tpu.memref_slice %arg5[%run_scoped3A, %dma_start3A_81] : memref<4x128xi32, #tpu.memory_space<vmem>> -> memref<1x128xi32, #tpu.memory_space<vmem>>
      %dma_start3A_83 = tpu.memref_squeeze %dma_start3A_82 : memref<1x128xi32, #tpu.memory_space<vmem>> -> memref<128xi32, #tpu.memory_space<vmem>>
      %dma_start3A_84 = tpu.memref_slice %arg3[%add3A_4] : memref<16384xi32, #tpu.memory_space<hbm>> -> memref<128xi32, #tpu.memory_space<hbm>>
      tpu.enqueue_dma source(%dma_start3A_84 : memref<128xi32, #tpu.memory_space<hbm>>) target(%dma_start3A_83 : memref<128xi32, #tpu.memory_space<vmem>>) target_semaphore(%run_scoped3A_76 : memref<!tpu.dma_semaphore, #tpu.memory_space<semaphore_mem>>)
      %dma_wait3A_85 = arith.constant 0 : i32
      %dma_wait3A_86 = tpu.memref_slice %arg5[%run_scoped3A, %dma_wait3A_85] : memref<4x128xi32, #tpu.memory_space<vmem>> -> memref<1x128xi32, #tpu.memory_space<vmem>>
      %dma_wait3A_87 = tpu.memref_squeeze %dma_wait3A_86 : memref<1x128xi32, #tpu.memory_space<vmem>> -> memref<128xi32, #tpu.memory_space<vmem>>
      %dma_wait3A_88 = tpu.memref_slice %arg3[%add3A_4] : memref<16384xi32, #tpu.memory_space<hbm>> -> memref<128xi32, #tpu.memory_space<hbm>>
      %dma_wait3A_89 = arith.constant 0 : i32
      %dma_wait3A_90 = tpu.memref_slice %arg5[%run_scoped3A, %dma_wait3A_89] : memref<4x128xi32, #tpu.memory_space<vmem>> -> memref<1x128xi32, #tpu.memory_space<vmem>>
      %dma_wait3A_91 = tpu.memref_squeeze %dma_wait3A_90 : memref<1x128xi32, #tpu.memory_space<vmem>> -> memref<128xi32, #tpu.memory_space<vmem>>
      %dma_wait3A_92 = tpu.memref_slice %arg3[%add3A_4] : memref<16384xi32, #tpu.memory_space<hbm>> -> memref<128xi32, #tpu.memory_space<hbm>>
      tpu.wait_dma2 semaphore(%run_scoped3A_76 : memref<!tpu.dma_semaphore, #tpu.memory_space<semaphore_mem>>) src(%dma_wait3A_92 : memref<128xi32, #tpu.memory_space<hbm>>) dst(%dma_wait3A_91 : memref<128xi32, #tpu.memory_space<vmem>>)
      tpu.yield
    }) : () -> ()
    %add3A_5 = arith.constant 128 : i32
    %add3A_6 = arith.addi %mul3A_2, %add3A_5 : i32
    %run_scoped3A_7 = arith.constant 1 : i32
    "tpu.region"() ({
      %run_scoped3A_76 = tpu.sem_alloc : memref<!tpu.dma_semaphore, #tpu.memory_space<semaphore_mem>>
      %dma_start3A_77 = arith.constant 0 : i32
      %dma_start3A_78 = tpu.memref_slice %arg5[%run_scoped3A_7, %dma_start3A_77] : memref<4x128xi32, #tpu.memory_space<vmem>> -> memref<1x128xi32, #tpu.memory_space<vmem>>
      %dma_start3A_79 = tpu.memref_squeeze %dma_start3A_78 : memref<1x128xi32, #tpu.memory_space<vmem>> -> memref<128xi32, #tpu.memory_space<vmem>>
      %dma_start3A_80 = tpu.memref_slice %arg3[%add3A_6] : memref<16384xi32, #tpu.memory_space<hbm>> -> memref<128xi32, #tpu.memory_space<hbm>>
      %dma_start3A_81 = arith.constant 0 : i32
      %dma_start3A_82 = tpu.memref_slice %arg5[%run_scoped3A_7, %dma_start3A_81] : memref<4x128xi32, #tpu.memory_space<vmem>> -> memref<1x128xi32, #tpu.memory_space<vmem>>
      %dma_start3A_83 = tpu.memref_squeeze %dma_start3A_82 : memref<1x128xi32, #tpu.memory_space<vmem>> -> memref<128xi32, #tpu.memory_space<vmem>>
      %dma_start3A_84 = tpu.memref_slice %arg3[%add3A_6] : memref<16384xi32, #tpu.memory_space<hbm>> -> memref<128xi32, #tpu.memory_space<hbm>>
      tpu.enqueue_dma source(%dma_start3A_84 : memref<128xi32, #tpu.memory_space<hbm>>) target(%dma_start3A_83 : memref<128xi32, #tpu.memory_space<vmem>>) target_semaphore(%run_scoped3A_76 : memref<!tpu.dma_semaphore, #tpu.memory_space<semaphore_mem>>)
      %dma_wait3A_85 = arith.constant 0 : i32
      %dma_wait3A_86 = tpu.memref_slice %arg5[%run_scoped3A_7, %dma_wait3A_85] : memref<4x128xi32, #tpu.memory_space<vmem>> -> memref<1x128xi32, #tpu.memory_space<vmem>>
      %dma_wait3A_87 = tpu.memref_squeeze %dma_wait3A_86 : memref<1x128xi32, #tpu.memory_space<vmem>> -> memref<128xi32, #tpu.memory_space<vmem>>
      %dma_wait3A_88 = tpu.memref_slice %arg3[%add3A_6] : memref<16384xi32, #tpu.memory_space<hbm>> -> memref<128xi32, #tpu.memory_space<hbm>>
      %dma_wait3A_89 = arith.constant 0 : i32
      %dma_wait3A_90 = tpu.memref_slice %arg5[%run_scoped3A_7, %dma_wait3A_89] : memref<4x128xi32, #tpu.memory_space<vmem>> -> memref<1x128xi32, #tpu.memory_space<vmem>>
      %dma_wait3A_91 = tpu.memref_squeeze %dma_wait3A_90 : memref<1x128xi32, #tpu.memory_space<vmem>> -> memref<128xi32, #tpu.memory_space<vmem>>
      %dma_wait3A_92 = tpu.memref_slice %arg3[%add3A_6] : memref<16384xi32, #tpu.memory_space<hbm>> -> memref<128xi32, #tpu.memory_space<hbm>>
      tpu.wait_dma2 semaphore(%run_scoped3A_76 : memref<!tpu.dma_semaphore, #tpu.memory_space<semaphore_mem>>) src(%dma_wait3A_92 : memref<128xi32, #tpu.memory_space<hbm>>) dst(%dma_wait3A_91 : memref<128xi32, #tpu.memory_space<vmem>>)
      tpu.yield
    }) : () -> ()
    %add3A_8 = arith.constant 256 : i32
    %add3A_9 = arith.addi %mul3A_2, %add3A_8 : i32
    %run_scoped3A_10 = arith.constant 2 : i32
    "tpu.region"() ({
      %run_scoped3A_76 = tpu.sem_alloc : memref<!tpu.dma_semaphore, #tpu.memory_space<semaphore_mem>>
      %dma_start3A_77 = arith.constant 0 : i32
      %dma_start3A_78 = tpu.memref_slice %arg5[%run_scoped3A_10, %dma_start3A_77] : memref<4x128xi32, #tpu.memory_space<vmem>> -> memref<1x128xi32, #tpu.memory_space<vmem>>
      %dma_start3A_79 = tpu.memref_squeeze %dma_start3A_78 : memref<1x128xi32, #tpu.memory_space<vmem>> -> memref<128xi32, #tpu.memory_space<vmem>>
      %dma_start3A_80 = tpu.memref_slice %arg3[%add3A_9] : memref<16384xi32, #tpu.memory_space<hbm>> -> memref<128xi32, #tpu.memory_space<hbm>>
      %dma_start3A_81 = arith.constant 0 : i32
      %dma_start3A_82 = tpu.memref_slice %arg5[%run_scoped3A_10, %dma_start3A_81] : memref<4x128xi32, #tpu.memory_space<vmem>> -> memref<1x128xi32, #tpu.memory_space<vmem>>
      %dma_start3A_83 = tpu.memref_squeeze %dma_start3A_82 : memref<1x128xi32, #tpu.memory_space<vmem>> -> memref<128xi32, #tpu.memory_space<vmem>>
      %dma_start3A_84 = tpu.memref_slice %arg3[%add3A_9] : memref<16384xi32, #tpu.memory_space<hbm>> -> memref<128xi32, #tpu.memory_space<hbm>>
      tpu.enqueue_dma source(%dma_start3A_84 : memref<128xi32, #tpu.memory_space<hbm>>) target(%dma_start3A_83 : memref<128xi32, #tpu.memory_space<vmem>>) target_semaphore(%run_scoped3A_76 : memref<!tpu.dma_semaphore, #tpu.memory_space<semaphore_mem>>)
      %dma_wait3A_85 = arith.constant 0 : i32
      %dma_wait3A_86 = tpu.memref_slice %arg5[%run_scoped3A_10, %dma_wait3A_85] : memref<4x128xi32, #tpu.memory_space<vmem>> -> memref<1x128xi32, #tpu.memory_space<vmem>>
      %dma_wait3A_87 = tpu.memref_squeeze %dma_wait3A_86 : memref<1x128xi32, #tpu.memory_space<vmem>> -> memref<128xi32, #tpu.memory_space<vmem>>
      %dma_wait3A_88 = tpu.memref_slice %arg3[%add3A_9] : memref<16384xi32, #tpu.memory_space<hbm>> -> memref<128xi32, #tpu.memory_space<hbm>>
      %dma_wait3A_89 = arith.constant 0 : i32
      %dma_wait3A_90 = tpu.memref_slice %arg5[%run_scoped3A_10, %dma_wait3A_89] : memref<4x128xi32, #tpu.memory_space<vmem>> -> memref<1x128xi32, #tpu.memory_space<vmem>>
      %dma_wait3A_91 = tpu.memref_squeeze %dma_wait3A_90 : memref<1x128xi32, #tpu.memory_space<vmem>> -> memref<128xi32, #tpu.memory_space<vmem>>
      %dma_wait3A_92 = tpu.memref_slice %arg3[%add3A_9] : memref<16384xi32, #tpu.memory_space<hbm>> -> memref<128xi32, #tpu.memory_space<hbm>>
      tpu.wait_dma2 semaphore(%run_scoped3A_76 : memref<!tpu.dma_semaphore, #tpu.memory_space<semaphore_mem>>) src(%dma_wait3A_92 : memref<128xi32, #tpu.memory_space<hbm>>) dst(%dma_wait3A_91 : memref<128xi32, #tpu.memory_space<vmem>>)
      tpu.yield
    }) : () -> ()
    %add3A_11 = arith.constant 384 : i32
    %add3A_12 = arith.addi %mul3A_2, %add3A_11 : i32
    %run_scoped3A_13 = arith.constant 3 : i32
    "tpu.region"() ({
      %run_scoped3A_76 = tpu.sem_alloc : memref<!tpu.dma_semaphore, #tpu.memory_space<semaphore_mem>>
      %dma_start3A_77 = arith.constant 0 : i32
      %dma_start3A_78 = tpu.memref_slice %arg5[%run_scoped3A_13, %dma_start3A_77] : memref<4x128xi32, #tpu.memory_space<vmem>> -> memref<1x128xi32, #tpu.memory_space<vmem>>
      %dma_start3A_79 = tpu.memref_squeeze %dma_start3A_78 : memref<1x128xi32, #tpu.memory_space<vmem>> -> memref<128xi32, #tpu.memory_space<vmem>>
      %dma_start3A_80 = tpu.memref_slice %arg3[%add3A_12] : memref<16384xi32, #tpu.memory_space<hbm>> -> memref<128xi32, #tpu.memory_space<hbm>>
      %dma_start3A_81 = arith.constant 0 : i32
      %dma_start3A_82 = tpu.memref_slice %arg5[%run_scoped3A_13, %dma_start3A_81] : memref<4x128xi32, #tpu.memory_space<vmem>> -> memref<1x128xi32, #tpu.memory_space<vmem>>
      %dma_start3A_83 = tpu.memref_squeeze %dma_start3A_82 : memref<1x128xi32, #tpu.memory_space<vmem>> -> memref<128xi32, #tpu.memory_space<vmem>>
      %dma_start3A_84 = tpu.memref_slice %arg3[%add3A_12] : memref<16384xi32, #tpu.memory_space<hbm>> -> memref<128xi32, #tpu.memory_space<hbm>>
      tpu.enqueue_dma source(%dma_start3A_84 : memref<128xi32, #tpu.memory_space<hbm>>) target(%dma_start3A_83 : memref<128xi32, #tpu.memory_space<vmem>>) target_semaphore(%run_scoped3A_76 : memref<!tpu.dma_semaphore, #tpu.memory_space<semaphore_mem>>)
      %dma_wait3A_85 = arith.constant 0 : i32
      %dma_wait3A_86 = tpu.memref_slice %arg5[%run_scoped3A_13, %dma_wait3A_85] : memref<4x128xi32, #tpu.memory_space<vmem>> -> memref<1x128xi32, #tpu.memory_space<vmem>>
      %dma_wait3A_87 = tpu.memref_squeeze %dma_wait3A_86 : memref<1x128xi32, #tpu.memory_space<vmem>> -> memref<128xi32, #tpu.memory_space<vmem>>
      %dma_wait3A_88 = tpu.memref_slice %arg3[%add3A_12] : memref<16384xi32, #tpu.memory_space<hbm>> -> memref<128xi32, #tpu.memory_space<hbm>>
      %dma_wait3A_89 = arith.constant 0 : i32
      %dma_wait3A_90 = tpu.memref_slice %arg5[%run_scoped3A_13, %dma_wait3A_89] : memref<4x128xi32, #tpu.memory_space<vmem>> -> memref<1x128xi32, #tpu.memory_space<vmem>>
      %dma_wait3A_91 = tpu.memref_squeeze %dma_wait3A_90 : memref<1x128xi32, #tpu.memory_space<vmem>> -> memref<128xi32, #tpu.memory_space<vmem>>
      %dma_wait3A_92 = tpu.memref_slice %arg3[%add3A_12] : memref<16384xi32, #tpu.memory_space<hbm>> -> memref<128xi32, #tpu.memory_space<hbm>>
      tpu.wait_dma2 semaphore(%run_scoped3A_76 : memref<!tpu.dma_semaphore, #tpu.memory_space<semaphore_mem>>) src(%dma_wait3A_92 : memref<128xi32, #tpu.memory_space<hbm>>) dst(%dma_wait3A_91 : memref<128xi32, #tpu.memory_space<vmem>>)
      tpu.yield
    }) : () -> ()
    %dma_start3A = arith.constant 0 : i32
    %dma_start3A_14 = arith.constant 0 : i32
    %dma_start3A_15 = tpu.memref_slice %arg5[%dma_start3A, %dma_start3A_14] : memref<4x128xi32, #tpu.memory_space<vmem>> -> memref<1x128xi32, #tpu.memory_space<vmem>>
    %dma_start3A_16 = tpu.memref_squeeze %dma_start3A_15 : memref<1x128xi32, #tpu.memory_space<vmem>> -> memref<128xi32, #tpu.memory_space<vmem>>
    %dma_start3A_17 = arith.constant 0 : i32
    %dma_start3A_18 = arith.constant 0 : i32
    %dma_start3A_19 = tpu.memref_slice %arg2[%dma_start3A_17, %dma_start3A_18] : memref<8192x32xf32, #tpu.memory_space<hbm>> -> memref<8192x32xf32, #tpu.memory_space<hbm>>
    tpu.enqueue_indirect_dma source(%dma_start3A_19 : memref<8192x32xf32, #tpu.memory_space<hbm>>) target(%arg6 : memref<128x32xf32, #tpu.memory_space<vmem>>) offsets(%dma_start3A_16 : memref<128xi32, #tpu.memory_space<vmem>>) semaphore(%arg7 : memref<!tpu.dma_semaphore, #tpu.memory_space<semaphore_mem>>)
    %dma_wait3A = arith.constant 0 : i32
    %dma_wait3A_20 = arith.constant 0 : i32
    %dma_wait3A_21 = tpu.memref_slice %arg5[%dma_wait3A, %dma_wait3A_20] : memref<4x128xi32, #tpu.memory_space<vmem>> -> memref<1x128xi32, #tpu.memory_space<vmem>>
    %dma_wait3A_22 = tpu.memref_squeeze %dma_wait3A_21 : memref<1x128xi32, #tpu.memory_space<vmem>> -> memref<128xi32, #tpu.memory_space<vmem>>
    %dma_wait3A_23 = arith.constant 0 : i32
    %dma_wait3A_24 = arith.constant 0 : i32
    %dma_wait3A_25 = tpu.memref_slice %arg2[%dma_wait3A_23, %dma_wait3A_24] : memref<8192x32xf32, #tpu.memory_space<hbm>> -> memref<8192x32xf32, #tpu.memory_space<hbm>>
    tpu.wait_indirect_dma semaphore(%arg7 : memref<!tpu.dma_semaphore, #tpu.memory_space<semaphore_mem>>) src(%dma_wait3A_25 : memref<8192x32xf32, #tpu.memory_space<hbm>>) dst(%arg6 : memref<128x32xf32, #tpu.memory_space<vmem>>)
    %add3A_26 = arith.constant 0 : i32
    %add3A_27 = arith.addi %mul3A_2, %add3A_26 : i32
    "tpu.region"() ({
      %run_scoped3A_76 = tpu.sem_alloc : memref<!tpu.dma_semaphore, #tpu.memory_space<semaphore_mem>>
      %dma_start3A_77 = arith.constant 0 : i32
      %dma_start3A_78 = tpu.memref_slice %arg4[%add3A_27, %dma_start3A_77] : memref<16384x32xf32, #tpu.memory_space<hbm>> -> memref<128x32xf32, #tpu.memory_space<hbm>>
      %dma_start3A_79 = arith.constant 0 : i32
      %dma_start3A_80 = tpu.memref_slice %arg4[%add3A_27, %dma_start3A_79] : memref<16384x32xf32, #tpu.memory_space<hbm>> -> memref<128x32xf32, #tpu.memory_space<hbm>>
      tpu.enqueue_dma source(%arg6 : memref<128x32xf32, #tpu.memory_space<vmem>>) target(%dma_start3A_80 : memref<128x32xf32, #tpu.memory_space<hbm>>) target_semaphore(%run_scoped3A_76 : memref<!tpu.dma_semaphore, #tpu.memory_space<semaphore_mem>>)
      %dma_wait3A_81 = arith.constant 0 : i32
      %dma_wait3A_82 = tpu.memref_slice %arg4[%add3A_27, %dma_wait3A_81] : memref<16384x32xf32, #tpu.memory_space<hbm>> -> memref<128x32xf32, #tpu.memory_space<hbm>>
      %dma_wait3A_83 = arith.constant 0 : i32
      %dma_wait3A_84 = tpu.memref_slice %arg4[%add3A_27, %dma_wait3A_83] : memref<16384x32xf32, #tpu.memory_space<hbm>> -> memref<128x32xf32, #tpu.memory_space<hbm>>
      tpu.wait_dma2 semaphore(%run_scoped3A_76 : memref<!tpu.dma_semaphore, #tpu.memory_space<semaphore_mem>>) src(%arg6 : memref<128x32xf32, #tpu.memory_space<vmem>>) dst(%dma_wait3A_84 : memref<128x32xf32, #tpu.memory_space<hbm>>)
      tpu.yield
    }) : () -> ()
    %dma_start3A_28 = arith.constant 1 : i32
    %dma_start3A_29 = arith.constant 0 : i32
    %dma_start3A_30 = tpu.memref_slice %arg5[%dma_start3A_28, %dma_start3A_29] : memref<4x128xi32, #tpu.memory_space<vmem>> -> memref<1x128xi32, #tpu.memory_space<vmem>>
    %dma_start3A_31 = tpu.memref_squeeze %dma_start3A_30 : memref<1x128xi32, #tpu.memory_space<vmem>> -> memref<128xi32, #tpu.memory_space<vmem>>
    %dma_start3A_32 = arith.constant 0 : i32
    %dma_start3A_33 = arith.constant 0 : i32
    %dma_start3A_34 = tpu.memref_slice %arg2[%dma_start3A_32, %dma_start3A_33] : memref<8192x32xf32, #tpu.memory_space<hbm>> -> memref<8192x32xf32, #tpu.memory_space<hbm>>
    tpu.enqueue_indirect_dma source(%dma_start3A_34 : memref<8192x32xf32, #tpu.memory_space<hbm>>) target(%arg6 : memref<128x32xf32, #tpu.memory_space<vmem>>) offsets(%dma_start3A_31 : memref<128xi32, #tpu.memory_space<vmem>>) semaphore(%arg7 : memref<!tpu.dma_semaphore, #tpu.memory_space<semaphore_mem>>)
    %dma_wait3A_35 = arith.constant 1 : i32
    %dma_wait3A_36 = arith.constant 0 : i32
    %dma_wait3A_37 = tpu.memref_slice %arg5[%dma_wait3A_35, %dma_wait3A_36] : memref<4x128xi32, #tpu.memory_space<vmem>> -> memref<1x128xi32, #tpu.memory_space<vmem>>
    %dma_wait3A_38 = tpu.memref_squeeze %dma_wait3A_37 : memref<1x128xi32, #tpu.memory_space<vmem>> -> memref<128xi32, #tpu.memory_space<vmem>>
    %dma_wait3A_39 = arith.constant 0 : i32
    %dma_wait3A_40 = arith.constant 0 : i32
    %dma_wait3A_41 = tpu.memref_slice %arg2[%dma_wait3A_39, %dma_wait3A_40] : memref<8192x32xf32, #tpu.memory_space<hbm>> -> memref<8192x32xf32, #tpu.memory_space<hbm>>
    tpu.wait_indirect_dma semaphore(%arg7 : memref<!tpu.dma_semaphore, #tpu.memory_space<semaphore_mem>>) src(%dma_wait3A_41 : memref<8192x32xf32, #tpu.memory_space<hbm>>) dst(%arg6 : memref<128x32xf32, #tpu.memory_space<vmem>>)
    %add3A_42 = arith.constant 128 : i32
    %add3A_43 = arith.addi %mul3A_2, %add3A_42 : i32
    "tpu.region"() ({
      %run_scoped3A_76 = tpu.sem_alloc : memref<!tpu.dma_semaphore, #tpu.memory_space<semaphore_mem>>
      %dma_start3A_77 = arith.constant 0 : i32
      %dma_start3A_78 = tpu.memref_slice %arg4[%add3A_43, %dma_start3A_77] : memref<16384x32xf32, #tpu.memory_space<hbm>> -> memref<128x32xf32, #tpu.memory_space<hbm>>
      %dma_start3A_79 = arith.constant 0 : i32
      %dma_start3A_80 = tpu.memref_slice %arg4[%add3A_43, %dma_start3A_79] : memref<16384x32xf32, #tpu.memory_space<hbm>> -> memref<128x32xf32, #tpu.memory_space<hbm>>
      tpu.enqueue_dma source(%arg6 : memref<128x32xf32, #tpu.memory_space<vmem>>) target(%dma_start3A_80 : memref<128x32xf32, #tpu.memory_space<hbm>>) target_semaphore(%run_scoped3A_76 : memref<!tpu.dma_semaphore, #tpu.memory_space<semaphore_mem>>)
      %dma_wait3A_81 = arith.constant 0 : i32
      %dma_wait3A_82 = tpu.memref_slice %arg4[%add3A_43, %dma_wait3A_81] : memref<16384x32xf32, #tpu.memory_space<hbm>> -> memref<128x32xf32, #tpu.memory_space<hbm>>
      %dma_wait3A_83 = arith.constant 0 : i32
      %dma_wait3A_84 = tpu.memref_slice %arg4[%add3A_43, %dma_wait3A_83] : memref<16384x32xf32, #tpu.memory_space<hbm>> -> memref<128x32xf32, #tpu.memory_space<hbm>>
      tpu.wait_dma2 semaphore(%run_scoped3A_76 : memref<!tpu.dma_semaphore, #tpu.memory_space<semaphore_mem>>) src(%arg6 : memref<128x32xf32, #tpu.memory_space<vmem>>) dst(%dma_wait3A_84 : memref<128x32xf32, #tpu.memory_space<hbm>>)
      tpu.yield
    }) : () -> ()
    %dma_start3A_44 = arith.constant 2 : i32
    %dma_start3A_45 = arith.constant 0 : i32
    %dma_start3A_46 = tpu.memref_slice %arg5[%dma_start3A_44, %dma_start3A_45] : memref<4x128xi32, #tpu.memory_space<vmem>> -> memref<1x128xi32, #tpu.memory_space<vmem>>
    %dma_start3A_47 = tpu.memref_squeeze %dma_start3A_46 : memref<1x128xi32, #tpu.memory_space<vmem>> -> memref<128xi32, #tpu.memory_space<vmem>>
    %dma_start3A_48 = arith.constant 0 : i32
    %dma_start3A_49 = arith.constant 0 : i32
    %dma_start3A_50 = tpu.memref_slice %arg2[%dma_start3A_48, %dma_start3A_49] : memref<8192x32xf32, #tpu.memory_space<hbm>> -> memref<8192x32xf32, #tpu.memory_space<hbm>>
    tpu.enqueue_indirect_dma source(%dma_start3A_50 : memref<8192x32xf32, #tpu.memory_space<hbm>>) target(%arg6 : memref<128x32xf32, #tpu.memory_space<vmem>>) offsets(%dma_start3A_47 : memref<128xi32, #tpu.memory_space<vmem>>) semaphore(%arg7 : memref<!tpu.dma_semaphore, #tpu.memory_space<semaphore_mem>>)
    %dma_wait3A_51 = arith.constant 2 : i32
    %dma_wait3A_52 = arith.constant 0 : i32
    %dma_wait3A_53 = tpu.memref_slice %arg5[%dma_wait3A_51, %dma_wait3A_52] : memref<4x128xi32, #tpu.memory_space<vmem>> -> memref<1x128xi32, #tpu.memory_space<vmem>>
    %dma_wait3A_54 = tpu.memref_squeeze %dma_wait3A_53 : memref<1x128xi32, #tpu.memory_space<vmem>> -> memref<128xi32, #tpu.memory_space<vmem>>
    %dma_wait3A_55 = arith.constant 0 : i32
    %dma_wait3A_56 = arith.constant 0 : i32
    %dma_wait3A_57 = tpu.memref_slice %arg2[%dma_wait3A_55, %dma_wait3A_56] : memref<8192x32xf32, #tpu.memory_space<hbm>> -> memref<8192x32xf32, #tpu.memory_space<hbm>>
    tpu.wait_indirect_dma semaphore(%arg7 : memref<!tpu.dma_semaphore, #tpu.memory_space<semaphore_mem>>) src(%dma_wait3A_57 : memref<8192x32xf32, #tpu.memory_space<hbm>>) dst(%arg6 : memref<128x32xf32, #tpu.memory_space<vmem>>)
    %add3A_58 = arith.constant 256 : i32
    %add3A_59 = arith.addi %mul3A_2, %add3A_58 : i32
    "tpu.region"() ({
      %run_scoped3A_76 = tpu.sem_alloc : memref<!tpu.dma_semaphore, #tpu.memory_space<semaphore_mem>>
      %dma_start3A_77 = arith.constant 0 : i32
      %dma_start3A_78 = tpu.memref_slice %arg4[%add3A_59, %dma_start3A_77] : memref<16384x32xf32, #tpu.memory_space<hbm>> -> memref<128x32xf32, #tpu.memory_space<hbm>>
      %dma_start3A_79 = arith.constant 0 : i32
      %dma_start3A_80 = tpu.memref_slice %arg4[%add3A_59, %dma_start3A_79] : memref<16384x32xf32, #tpu.memory_space<hbm>> -> memref<128x32xf32, #tpu.memory_space<hbm>>
      tpu.enqueue_dma source(%arg6 : memref<128x32xf32, #tpu.memory_space<vmem>>) target(%dma_start3A_80 : memref<128x32xf32, #tpu.memory_space<hbm>>) target_semaphore(%run_scoped3A_76 : memref<!tpu.dma_semaphore, #tpu.memory_space<semaphore_mem>>)
      %dma_wait3A_81 = arith.constant 0 : i32
      %dma_wait3A_82 = tpu.memref_slice %arg4[%add3A_59, %dma_wait3A_81] : memref<16384x32xf32, #tpu.memory_space<hbm>> -> memref<128x32xf32, #tpu.memory_space<hbm>>
      %dma_wait3A_83 = arith.constant 0 : i32
      %dma_wait3A_84 = tpu.memref_slice %arg4[%add3A_59, %dma_wait3A_83] : memref<16384x32xf32, #tpu.memory_space<hbm>> -> memref<128x32xf32, #tpu.memory_space<hbm>>
      tpu.wait_dma2 semaphore(%run_scoped3A_76 : memref<!tpu.dma_semaphore, #tpu.memory_space<semaphore_mem>>) src(%arg6 : memref<128x32xf32, #tpu.memory_space<vmem>>) dst(%dma_wait3A_84 : memref<128x32xf32, #tpu.memory_space<hbm>>)
      tpu.yield
    }) : () -> ()
    %dma_start3A_60 = arith.constant 3 : i32
    %dma_start3A_61 = arith.constant 0 : i32
    %dma_start3A_62 = tpu.memref_slice %arg5[%dma_start3A_60, %dma_start3A_61] : memref<4x128xi32, #tpu.memory_space<vmem>> -> memref<1x128xi32, #tpu.memory_space<vmem>>
    %dma_start3A_63 = tpu.memref_squeeze %dma_start3A_62 : memref<1x128xi32, #tpu.memory_space<vmem>> -> memref<128xi32, #tpu.memory_space<vmem>>
    %dma_start3A_64 = arith.constant 0 : i32
    %dma_start3A_65 = arith.constant 0 : i32
    %dma_start3A_66 = tpu.memref_slice %arg2[%dma_start3A_64, %dma_start3A_65] : memref<8192x32xf32, #tpu.memory_space<hbm>> -> memref<8192x32xf32, #tpu.memory_space<hbm>>
    tpu.enqueue_indirect_dma source(%dma_start3A_66 : memref<8192x32xf32, #tpu.memory_space<hbm>>) target(%arg6 : memref<128x32xf32, #tpu.memory_space<vmem>>) offsets(%dma_start3A_63 : memref<128xi32, #tpu.memory_space<vmem>>) semaphore(%arg7 : memref<!tpu.dma_semaphore, #tpu.memory_space<semaphore_mem>>)
    %dma_wait3A_67 = arith.constant 3 : i32
    %dma_wait3A_68 = arith.constant 0 : i32
    %dma_wait3A_69 = tpu.memref_slice %arg5[%dma_wait3A_67, %dma_wait3A_68] : memref<4x128xi32, #tpu.memory_space<vmem>> -> memref<1x128xi32, #tpu.memory_space<vmem>>
    %dma_wait3A_70 = tpu.memref_squeeze %dma_wait3A_69 : memref<1x128xi32, #tpu.memory_space<vmem>> -> memref<128xi32, #tpu.memory_space<vmem>>
    %dma_wait3A_71 = arith.constant 0 : i32
    %dma_wait3A_72 = arith.constant 0 : i32
    %dma_wait3A_73 = tpu.memref_slice %arg2[%dma_wait3A_71, %dma_wait3A_72] : memref<8192x32xf32, #tpu.memory_space<hbm>> -> memref<8192x32xf32, #tpu.memory_space<hbm>>
    tpu.wait_indirect_dma semaphore(%arg7 : memref<!tpu.dma_semaphore, #tpu.memory_space<semaphore_mem>>) src(%dma_wait3A_73 : memref<8192x32xf32, #tpu.memory_space<hbm>>) dst(%arg6 : memref<128x32xf32, #tpu.memory_space<vmem>>)
    %add3A_74 = arith.constant 384 : i32
    %add3A_75 = arith.addi %mul3A_2, %add3A_74 : i32
    "tpu.region"() ({
      %run_scoped3A_76 = tpu.sem_alloc : memref<!tpu.dma_semaphore, #tpu.memory_space<semaphore_mem>>
      %dma_start3A_77 = arith.constant 0 : i32
      %dma_start3A_78 = tpu.memref_slice %arg4[%add3A_75, %dma_start3A_77] : memref<16384x32xf32, #tpu.memory_space<hbm>> -> memref<128x32xf32, #tpu.memory_space<hbm>>
      %dma_start3A_79 = arith.constant 0 : i32
      %dma_start3A_80 = tpu.memref_slice %arg4[%add3A_75, %dma_start3A_79] : memref<16384x32xf32, #tpu.memory_space<hbm>> -> memref<128x32xf32, #tpu.memory_space<hbm>>
      tpu.enqueue_dma source(%arg6 : memref<128x32xf32, #tpu.memory_space<vmem>>) target(%dma_start3A_80 : memref<128x32xf32, #tpu.memory_space<hbm>>) target_semaphore(%run_scoped3A_76 : memref<!tpu.dma_semaphore, #tpu.memory_space<semaphore_mem>>)
      %dma_wait3A_81 = arith.constant 0 : i32
      %dma_wait3A_82 = tpu.memref_slice %arg4[%add3A_75, %dma_wait3A_81] : memref<16384x32xf32, #tpu.memory_space<hbm>> -> memref<128x32xf32, #tpu.memory_space<hbm>>
      %dma_wait3A_83 = arith.constant 0 : i32
      %dma_wait3A_84 = tpu.memref_slice %arg4[%add3A_75, %dma_wait3A_83] : memref<16384x32xf32, #tpu.memory_space<hbm>> -> memref<128x32xf32, #tpu.memory_space<hbm>>
      tpu.wait_dma2 semaphore(%run_scoped3A_76 : memref<!tpu.dma_semaphore, #tpu.memory_space<semaphore_mem>>) src(%arg6 : memref<128x32xf32, #tpu.memory_space<vmem>>) dst(%dma_wait3A_84 : memref<128x32xf32, #tpu.memory_space<hbm>>)
      tpu.yield
    }) : () -> ()
    return
  }
}

module attributes {stable_mosaic.version = 14 : i64} {
  func.func @_argmin_body(%arg0: i32, %arg1: memref<1x1x512xf32, #tpu.memory_space<vmem>>, %arg2: memref<8192x1xf32, #tpu.memory_space<vmem>>, %arg3: memref<1x32x512xf32, #tpu.memory_space<vmem>>, %arg4: memref<8192x32xf32, #tpu.memory_space<vmem>>, %arg5: memref<1x1x512xi32, #tpu.memory_space<vmem>>, %arg6: memref<1x1xf32, #tpu.memory_space<vmem>>) attributes {dimension_semantics = [#tpu.dimension_semantics<arbitrary>], iteration_bounds = array<i64: 32>, scalar_prefetch = 0 : i64, scratch_operands = 0 : i64, tpu.core_type = #tpu.core_type<tc>, window_params = [{transform_indices = @transform_0, window_bounds = array<i64: 1, 1, 512>}, {pipeline_mode = #tpu.pipeline_mode<synchronous>, transform_indices = @transform_1, window_bounds = array<i64: 8192, 1>}, {transform_indices = @transform_2, window_bounds = array<i64: 1, 32, 512>}, {pipeline_mode = #tpu.pipeline_mode<synchronous>, transform_indices = @transform_3, window_bounds = array<i64: 8192, 32>}, {transform_indices = @transform_4, window_bounds = array<i64: 1, 1, 512>}, {pipeline_mode = #tpu.pipeline_mode<synchronous>, transform_indices = @transform_5, window_bounds = array<i64: 1, 1>}]} {
    %get3A = arith.constant 0 : index
    %get3A_0 = arith.constant 0 : index
    %get3A_1 = arith.constant 0 : index
    %get3A_2 = vector.load %arg3[%get3A, %get3A_0, %get3A_1] : memref<1x32x512xf32, #tpu.memory_space<vmem>>, vector<1x32x512xf32>
    %get3A_3 = vector.shape_cast %get3A_2 : vector<1x32x512xf32> to vector<32x512xf32>
    %get3A_4 = arith.constant 0 : index
    %get3A_5 = arith.constant 0 : index
    %get3A_6 = vector.load %arg4[%get3A_4, %get3A_5] : memref<8192x32xf32, #tpu.memory_space<vmem>>, vector<8192x32xf32>
    %dot_general3A = arith.constant dense<0.000000e+00> : vector<8192x512xf32>
    %dot_general3A_7 = tpu.matmul %get3A_6, %get3A_3, %dot_general3A {dimension_numbers = #tpu.dot_dimension_numbers<[1], [0], [0], [1], [0, 0, 1, 1], [], []>, transpose_lhs_hint = false} : vector<8192x32xf32>, vector<32x512xf32>, vector<8192x512xf32> -> vector<8192x512xf32>
    %get3A_8 = arith.constant 0 : index
    %get3A_9 = arith.constant 0 : index
    %get3A_10 = arith.constant 0 : index
    %get3A_11 = vector.load %arg1[%get3A_8, %get3A_9, %get3A_10] : memref<1x1x512xf32, #tpu.memory_space<vmem>>, vector<1x1x512xf32>
    %get3A_12 = vector.shape_cast %get3A_11 : vector<1x1x512xf32> to vector<1x512xf32>
    %get3A_13 = arith.constant 0 : index
    %get3A_14 = arith.constant 0 : index
    %get3A_15 = vector.load %arg2[%get3A_13, %get3A_14] : memref<8192x1xf32, #tpu.memory_space<vmem>>, vector<8192x1xf32>
    %add3A = vector.broadcast %get3A_12 : vector<1x512xf32> to vector<8192x512xf32>
    %add3A_16 = vector.broadcast %get3A_15 : vector<8192x1xf32> to vector<8192x512xf32>
    %add3A_17 = arith.addf %add3A, %add3A_16 : vector<8192x512xf32>
    %add3A_18 = arith.addf %add3A_17, %dot_general3A_7 : vector<8192x512xf32>
    %slice3A = vector.extract_strided_slice %add3A_18 {offsets = [0, 0], sizes = [1024, 512], strides = [1, 1]} : vector<8192x512xf32> to vector<1024x512xf32>
    %slice3A_19 = vector.extract_strided_slice %add3A_18 {offsets = [1024, 0], sizes = [1024, 512], strides = [1, 1]} : vector<8192x512xf32> to vector<1024x512xf32>
    %slice3A_20 = vector.extract_strided_slice %add3A_18 {offsets = [2048, 0], sizes = [1024, 512], strides = [1, 1]} : vector<8192x512xf32> to vector<1024x512xf32>
    %slice3A_21 = vector.extract_strided_slice %add3A_18 {offsets = [3072, 0], sizes = [1024, 512], strides = [1, 1]} : vector<8192x512xf32> to vector<1024x512xf32>
    %slice3A_22 = vector.extract_strided_slice %add3A_18 {offsets = [4096, 0], sizes = [1024, 512], strides = [1, 1]} : vector<8192x512xf32> to vector<1024x512xf32>
    %slice3A_23 = vector.extract_strided_slice %add3A_18 {offsets = [5120, 0], sizes = [1024, 512], strides = [1, 1]} : vector<8192x512xf32> to vector<1024x512xf32>
    %slice3A_24 = vector.extract_strided_slice %add3A_18 {offsets = [6144, 0], sizes = [1024, 512], strides = [1, 1]} : vector<8192x512xf32> to vector<1024x512xf32>
    %slice3A_25 = vector.extract_strided_slice %add3A_18 {offsets = [7168, 0], sizes = [1024, 512], strides = [1, 1]} : vector<8192x512xf32> to vector<1024x512xf32>
    %reduce_min3A = arith.constant dense<0x7F800000> : vector<512xf32>
    %reduce_min3A_26 = vector.multi_reduction <minimumf>, %slice3A, %reduce_min3A [0] : vector<1024x512xf32> to vector<512xf32>
    %broadcast_in_dim3A = vector.shape_cast %reduce_min3A_26 : vector<512xf32> to vector<1x512xf32>
    %reduce_min3A_27 = arith.constant dense<0x7F800000> : vector<512xf32>
    %reduce_min3A_28 = vector.multi_reduction <minimumf>, %slice3A_19, %reduce_min3A_27 [0] : vector<1024x512xf32> to vector<512xf32>
    %broadcast_in_dim3A_29 = vector.shape_cast %reduce_min3A_28 : vector<512xf32> to vector<1x512xf32>
    %reduce_min3A_30 = arith.constant dense<0x7F800000> : vector<512xf32>
    %reduce_min3A_31 = vector.multi_reduction <minimumf>, %slice3A_20, %reduce_min3A_30 [0] : vector<1024x512xf32> to vector<512xf32>
    %broadcast_in_dim3A_32 = vector.shape_cast %reduce_min3A_31 : vector<512xf32> to vector<1x512xf32>
    %reduce_min3A_33 = arith.constant dense<0x7F800000> : vector<512xf32>
    %reduce_min3A_34 = vector.multi_reduction <minimumf>, %slice3A_21, %reduce_min3A_33 [0] : vector<1024x512xf32> to vector<512xf32>
    %broadcast_in_dim3A_35 = vector.shape_cast %reduce_min3A_34 : vector<512xf32> to vector<1x512xf32>
    %reduce_min3A_36 = arith.constant dense<0x7F800000> : vector<512xf32>
    %reduce_min3A_37 = vector.multi_reduction <minimumf>, %slice3A_22, %reduce_min3A_36 [0] : vector<1024x512xf32> to vector<512xf32>
    %broadcast_in_dim3A_38 = vector.shape_cast %reduce_min3A_37 : vector<512xf32> to vector<1x512xf32>
    %reduce_min3A_39 = arith.constant dense<0x7F800000> : vector<512xf32>
    %reduce_min3A_40 = vector.multi_reduction <minimumf>, %slice3A_23, %reduce_min3A_39 [0] : vector<1024x512xf32> to vector<512xf32>
    %broadcast_in_dim3A_41 = vector.shape_cast %reduce_min3A_40 : vector<512xf32> to vector<1x512xf32>
    %reduce_min3A_42 = arith.constant dense<0x7F800000> : vector<512xf32>
    %reduce_min3A_43 = vector.multi_reduction <minimumf>, %slice3A_24, %reduce_min3A_42 [0] : vector<1024x512xf32> to vector<512xf32>
    %broadcast_in_dim3A_44 = vector.shape_cast %reduce_min3A_43 : vector<512xf32> to vector<1x512xf32>
    %reduce_min3A_45 = arith.constant dense<0x7F800000> : vector<512xf32>
    %reduce_min3A_46 = vector.multi_reduction <minimumf>, %slice3A_25, %reduce_min3A_45 [0] : vector<1024x512xf32> to vector<512xf32>
    %broadcast_in_dim3A_47 = vector.shape_cast %reduce_min3A_46 : vector<512xf32> to vector<1x512xf32>
    %min3A = arith.minimumf %broadcast_in_dim3A, %broadcast_in_dim3A_29 : vector<1x512xf32>
    %min3A_48 = arith.minimumf %broadcast_in_dim3A_32, %broadcast_in_dim3A_35 : vector<1x512xf32>
    %min3A_49 = arith.minimumf %min3A, %min3A_48 : vector<1x512xf32>
    %min3A_50 = arith.minimumf %broadcast_in_dim3A_38, %broadcast_in_dim3A_41 : vector<1x512xf32>
    %min3A_51 = arith.minimumf %broadcast_in_dim3A_44, %broadcast_in_dim3A_47 : vector<1x512xf32>
    %min3A_52 = arith.minimumf %min3A_50, %min3A_51 : vector<1x512xf32>
    %convert_element_type3A = arith.truncf %min3A_49 : vector<1x512xf32> to vector<1x512xbf16>
    %convert_element_type3A_53 = arith.extf %convert_element_type3A : vector<1x512xbf16> to vector<1x512xf32>
    %lt3A = arith.cmpf olt, %min3A_52, %convert_element_type3A_53 : vector<1x512xf32>
    %select_n3A = arith.select %lt3A, %min3A_52, %min3A_49 : vector<1x512xi1>, vector<1x512xf32>
    %lt3A_54 = arith.cmpf olt, %broadcast_in_dim3A_29, %broadcast_in_dim3A : vector<1x512xf32>
    %lt3A_55 = arith.cmpf olt, %broadcast_in_dim3A_35, %broadcast_in_dim3A_32 : vector<1x512xf32>
    %lt3A_56 = arith.cmpf olt, %broadcast_in_dim3A_41, %broadcast_in_dim3A_38 : vector<1x512xf32>
    %lt3A_57 = arith.cmpf olt, %broadcast_in_dim3A_47, %broadcast_in_dim3A_44 : vector<1x512xf32>
    %broadcast_in_dim3A_58 = vector.shape_cast %lt3A_54 : vector<1x512xi1> to vector<1x512xi1>
    %broadcast_in_dim3A_59 = vector.broadcast %broadcast_in_dim3A_58 : vector<1x512xi1> to vector<1024x512xi1>
    %select_n3A_60 = arith.select %broadcast_in_dim3A_59, %slice3A_19, %slice3A : vector<1024x512xi1>, vector<1024x512xf32>
    %broadcast_in_dim3A_61 = vector.shape_cast %lt3A_55 : vector<1x512xi1> to vector<1x512xi1>
    %broadcast_in_dim3A_62 = vector.broadcast %broadcast_in_dim3A_61 : vector<1x512xi1> to vector<1024x512xi1>
    %select_n3A_63 = arith.select %broadcast_in_dim3A_62, %slice3A_21, %slice3A_20 : vector<1024x512xi1>, vector<1024x512xf32>
    %broadcast_in_dim3A_64 = vector.shape_cast %lt3A_56 : vector<1x512xi1> to vector<1x512xi1>
    %broadcast_in_dim3A_65 = vector.broadcast %broadcast_in_dim3A_64 : vector<1x512xi1> to vector<1024x512xi1>
    %select_n3A_66 = arith.select %broadcast_in_dim3A_65, %slice3A_23, %slice3A_22 : vector<1024x512xi1>, vector<1024x512xf32>
    %broadcast_in_dim3A_67 = vector.shape_cast %lt3A_57 : vector<1x512xi1> to vector<1x512xi1>
    %broadcast_in_dim3A_68 = vector.broadcast %broadcast_in_dim3A_67 : vector<1x512xi1> to vector<1024x512xi1>
    %select_n3A_69 = arith.select %broadcast_in_dim3A_68, %slice3A_25, %slice3A_24 : vector<1024x512xi1>, vector<1024x512xf32>
    %min3A_70 = arith.minimumf %broadcast_in_dim3A, %broadcast_in_dim3A_29 : vector<1x512xf32>
    %min3A_71 = arith.minimumf %broadcast_in_dim3A_32, %broadcast_in_dim3A_35 : vector<1x512xf32>
    %min3A_72 = arith.minimumf %broadcast_in_dim3A_38, %broadcast_in_dim3A_41 : vector<1x512xf32>
    %min3A_73 = arith.minimumf %broadcast_in_dim3A_44, %broadcast_in_dim3A_47 : vector<1x512xf32>
    %lt3A_74 = arith.cmpf olt, %min3A_71, %min3A_70 : vector<1x512xf32>
    %lt3A_75 = arith.cmpf olt, %min3A_73, %min3A_72 : vector<1x512xf32>
    %broadcast_in_dim3A_76 = vector.shape_cast %lt3A_74 : vector<1x512xi1> to vector<1x512xi1>
    %broadcast_in_dim3A_77 = vector.broadcast %broadcast_in_dim3A_76 : vector<1x512xi1> to vector<1024x512xi1>
    %select_n3A_78 = arith.select %broadcast_in_dim3A_77, %select_n3A_63, %select_n3A_60 : vector<1024x512xi1>, vector<1024x512xf32>
    %broadcast_in_dim3A_79 = vector.shape_cast %lt3A_75 : vector<1x512xi1> to vector<1x512xi1>
    %broadcast_in_dim3A_80 = vector.broadcast %broadcast_in_dim3A_79 : vector<1x512xi1> to vector<1024x512xi1>
    %select_n3A_81 = arith.select %broadcast_in_dim3A_80, %select_n3A_69, %select_n3A_66 : vector<1024x512xi1>, vector<1024x512xf32>
    %broadcast_in_dim3A_82 = vector.shape_cast %lt3A : vector<1x512xi1> to vector<1x512xi1>
    %broadcast_in_dim3A_83 = vector.broadcast %broadcast_in_dim3A_82 : vector<1x512xi1> to vector<1024x512xi1>
    %select_n3A_84 = arith.select %broadcast_in_dim3A_83, %select_n3A_81, %select_n3A_78 : vector<1024x512xi1>, vector<1024x512xf32>
    %iota3A = tpu.iota {dimensions = array<i32: 0>} : vector<1024x512xi32>
    %eq3A = vector.broadcast %select_n3A : vector<1x512xf32> to vector<1024x512xf32>
    %eq3A_85 = arith.cmpf oeq, %select_n3A_84, %eq3A : vector<1024x512xf32>
    %jit3A = arith.constant 8192 : i32
    %broadcast_in_dim3A_86 = vector.broadcast %jit3A : i32 to vector<1024x512xi32>
    %select_n3A_87 = arith.select %eq3A_85, %iota3A, %broadcast_in_dim3A_86 : vector<1024x512xi1>, vector<1024x512xi32>
    %reduce_min3A_88 = arith.constant dense<2147483647> : vector<512xi32>
    %reduce_min3A_89 = vector.multi_reduction <minsi>, %select_n3A_87, %reduce_min3A_88 [0] : vector<1024x512xi32> to vector<512xi32>
    %broadcast_in_dim3A_90 = vector.shape_cast %reduce_min3A_89 : vector<512xi32> to vector<1x512xi32>
    %jit3A_91 = arith.constant 1 : i32
    %jit3A_92 = arith.constant 0 : i32
    %broadcast_in_dim3A_93 = vector.broadcast %jit3A_91 : i32 to vector<1x512xi32>
    %broadcast_in_dim3A_94 = vector.broadcast %jit3A_92 : i32 to vector<1x512xi32>
    %select_n3A_95 = arith.select %lt3A_54, %broadcast_in_dim3A_93, %broadcast_in_dim3A_94 : vector<1x512xi1>, vector<1x512xi32>
    %jit3A_96 = arith.constant 3 : i32
    %jit3A_97 = arith.constant 2 : i32
    %broadcast_in_dim3A_98 = vector.broadcast %jit3A_96 : i32 to vector<1x512xi32>
    %broadcast_in_dim3A_99 = vector.broadcast %jit3A_97 : i32 to vector<1x512xi32>
    %select_n3A_100 = arith.select %lt3A_55, %broadcast_in_dim3A_98, %broadcast_in_dim3A_99 : vector<1x512xi1>, vector<1x512xi32>
    %jit3A_101 = arith.constant 5 : i32
    %jit3A_102 = arith.constant 4 : i32
    %broadcast_in_dim3A_103 = vector.broadcast %jit3A_101 : i32 to vector<1x512xi32>
    %broadcast_in_dim3A_104 = vector.broadcast %jit3A_102 : i32 to vector<1x512xi32>
    %select_n3A_105 = arith.select %lt3A_56, %broadcast_in_dim3A_103, %broadcast_in_dim3A_104 : vector<1x512xi1>, vector<1x512xi32>
    %jit3A_106 = arith.constant 7 : i32
    %jit3A_107 = arith.constant 6 : i32
    %broadcast_in_dim3A_108 = vector.broadcast %jit3A_106 : i32 to vector<1x512xi32>
    %broadcast_in_dim3A_109 = vector.broadcast %jit3A_107 : i32 to vector<1x512xi32>
    %select_n3A_110 = arith.select %lt3A_57, %broadcast_in_dim3A_108, %broadcast_in_dim3A_109 : vector<1x512xi1>, vector<1x512xi32>
    %select_n3A_111 = arith.select %lt3A_74, %select_n3A_100, %select_n3A_95 : vector<1x512xi1>, vector<1x512xi32>
    %select_n3A_112 = arith.select %lt3A_75, %select_n3A_110, %select_n3A_105 : vector<1x512xi1>, vector<1x512xi32>
    %select_n3A_113 = arith.select %lt3A, %select_n3A_112, %select_n3A_111 : vector<1x512xi1>, vector<1x512xi32>
    %mul3A = arith.constant 1024 : i32
    %mul3A_114 = vector.broadcast %mul3A : i32 to vector<1x512xi32>
    %mul3A_115 = arith.muli %select_n3A_113, %mul3A_114 : vector<1x512xi32>
    %add3A_116 = arith.addi %broadcast_in_dim3A_90, %mul3A_115 : vector<1x512xi32>
    %reshape3A = vector.shape_cast %add3A_116 : vector<1x512xi32> to vector<1x1x512xi32>
    %swap3A = arith.constant 0 : index
    %swap3A_117 = arith.constant 0 : index
    %swap3A_118 = arith.constant 0 : index
    %swap3A_119 = vector.load %arg5[%swap3A, %swap3A_117, %swap3A_118] : memref<1x1x512xi32, #tpu.memory_space<vmem>>, vector<1x1x512xi32>
    tpu.vector_store %arg5[%swap3A, %swap3A_117, %swap3A_118], %reshape3A {strides = array<i32>} : memref<1x1x512xi32, #tpu.memory_space<vmem>>, vector<1x1x512xi32>,
    %eq3A_120 = arith.constant 0 : i32
    %eq3A_121 = arith.cmpi eq, %arg0, %eq3A_120 : i32
    %convert_element_type3A_122 = arith.extui %eq3A_121 : i1 to i32
    %cond3A = arith.constant 0 : i32
    %cond3A_123 = arith.cmpi ne, %convert_element_type3A_122, %cond3A : i32
    scf.if %cond3A_123 {
      %broadcast_in_dim3A_136 = arith.constant 0.000000e+00 : f32
      %broadcast_in_dim3A_137 = vector.broadcast %broadcast_in_dim3A_136 : f32 to vector<1x1xf32>
      %swap3A_138 = arith.constant 0 : index
      %swap3A_139 = arith.constant 0 : index
      %swap3A_140 = vector.load %arg6[%swap3A_138, %swap3A_139] : memref<1x1xf32, #tpu.memory_space<vmem>>, vector<1x1xf32>
      tpu.vector_store %arg6[%swap3A_138, %swap3A_139], %broadcast_in_dim3A_137 {strides = array<i32>} : memref<1x1xf32, #tpu.memory_space<vmem>>, vector<1x1xf32>,
    } else {
    }
    %get3A_124 = arith.constant 0 : index
    %get3A_125 = arith.constant 0 : index
    %get3A_126 = vector.load %arg6[%get3A_124, %get3A_125] : memref<1x1xf32, #tpu.memory_space<vmem>>, vector<1x1xf32>
    %reduce_sum3A = vector.shape_cast %select_n3A : vector<1x512xf32> to vector<1x1x512xf32>
    %reduce_sum3A_127 = arith.constant dense<0.000000e+00> : vector<1xf32>
    %reduce_sum3A_128 = vector.multi_reduction <add>, %reduce_sum3A, %reduce_sum3A_127 [1, 2] : vector<1x1x512xf32> to vector<1xf32>
    %reduce_sum3A_129 = vector.shape_cast %reduce_sum3A_128 : vector<1xf32> to vector<1x1x1xf32>
    %reduce_sum3A_130 = vector.extract %reduce_sum3A_129[0, 0, 0] : f32 from vector<1x1x1xf32>
    %broadcast_in_dim3A_131 = vector.broadcast %reduce_sum3A_130 : f32 to vector<1x1xf32>
    %add3A_132 = arith.addf %get3A_126, %broadcast_in_dim3A_131 : vector<1x1xf32>
    %swap3A_133 = arith.constant 0 : index
    %swap3A_134 = arith.constant 0 : index
    %swap3A_135 = vector.load %arg6[%swap3A_133, %swap3A_134] : memref<1x1xf32, #tpu.memory_space<vmem>>, vector<1x1xf32>
    tpu.vector_store %arg6[%swap3A_133, %swap3A_134], %add3A_132 {strides = array<i32>} : memref<1x1xf32, #tpu.memory_space<vmem>>, vector<1x1xf32>,
    return
  }
  func.func @transform_0(%arg0: i32) -> (i32, i32, i32) {
    %jit3A = arith.constant 2 : i32
    %div3A = arith.divsi %arg0, %jit3A : i32
    %sign3A = arith.constant 0 : i32
    %sign3A_0 = arith.cmpi sgt, %arg0, %sign3A : i32
    %sign3A_1 = arith.extui %sign3A_0 : i1 to i32
    %sign3A_2 = arith.constant 0 : i32
    %sign3A_3 = arith.cmpi slt, %arg0, %sign3A_2 : i32
    %sign3A_4 = arith.extui %sign3A_3 : i1 to i32
    %sign3A_5 = arith.subi %sign3A_1, %sign3A_4 : i32
    %sign3A_6 = arith.constant 0 : i32
    %sign3A_7 = arith.cmpi sgt, %jit3A, %sign3A_6 : i32
    %sign3A_8 = arith.extui %sign3A_7 : i1 to i32
    %sign3A_9 = arith.constant 0 : i32
    %sign3A_10 = arith.cmpi slt, %jit3A, %sign3A_9 : i32
    %sign3A_11 = arith.extui %sign3A_10 : i1 to i32
    %sign3A_12 = arith.subi %sign3A_8, %sign3A_11 : i32
    %ne3A = arith.cmpi ne, %sign3A_5, %sign3A_12 : i32
    %rem3A = arith.remsi %arg0, %jit3A : i32
    %ne3A_13 = arith.constant 0 : i32
    %ne3A_14 = arith.cmpi ne, %rem3A, %ne3A_13 : i32
    %and3A = arith.andi %ne3A, %ne3A_14 : i1
    %sub3A = arith.constant 1 : i32
    %sub3A_15 = arith.subi %div3A, %sub3A : i32
    %select_n3A = arith.select %and3A, %sub3A_15, %div3A : i32
    %jit3A_16 = arith.constant 2 : i32
    %eq3A = arith.constant 0 : i32
    %eq3A_17 = arith.cmpi eq, %jit3A_16, %eq3A : i32
    %jit3A_18 = arith.constant 1 : i32
    %select_n3A_19 = arith.select %eq3A_17, %jit3A_18, %jit3A_16 : i32
    %rem3A_20 = arith.remsi %arg0, %select_n3A_19 : i32
    %ne3A_21 = arith.constant 0 : i32
    %ne3A_22 = arith.cmpi ne, %rem3A_20, %ne3A_21 : i32
    %lt3A = arith.constant 0 : i32
    %lt3A_23 = arith.cmpi slt, %rem3A_20, %lt3A : i32
    %lt3A_24 = arith.constant 0 : i32
    %lt3A_25 = arith.cmpi slt, %select_n3A_19, %lt3A_24 : i32
    %ne3A_26 = arith.xori %lt3A_23, %lt3A_25 : i1
    %and3A_27 = arith.andi %ne3A_26, %ne3A_22 : i1
    %add3A = arith.addi %rem3A_20, %select_n3A_19 : i32
    %select_n3A_28 = arith.select %and3A_27, %add3A, %rem3A_20 : i32
    %c0_i32 = arith.constant 0 : i32
    %c0_i32_29 = arith.constant 0 : i32
    return %select_n3A, %c0_i32, %select_n3A_28 : i32, i32, i32
  }
  func.func @transform_1(%arg0: i32) -> (i32, i32) {
    %c0_i32 = arith.constant 0 : i32
    %c0_i32_0 = arith.constant 0 : i32
    %c0_i32_1 = arith.constant 0 : i32
    return %c0_i32, %c0_i32_0 : i32, i32
  }
  func.func @transform_2(%arg0: i32) -> (i32, i32, i32) {
    %jit3A = arith.constant 2 : i32
    %div3A = arith.divsi %arg0, %jit3A : i32
    %sign3A = arith.constant 0 : i32
    %sign3A_0 = arith.cmpi sgt, %arg0, %sign3A : i32
    %sign3A_1 = arith.extui %sign3A_0 : i1 to i32
    %sign3A_2 = arith.constant 0 : i32
    %sign3A_3 = arith.cmpi slt, %arg0, %sign3A_2 : i32
    %sign3A_4 = arith.extui %sign3A_3 : i1 to i32
    %sign3A_5 = arith.subi %sign3A_1, %sign3A_4 : i32
    %sign3A_6 = arith.constant 0 : i32
    %sign3A_7 = arith.cmpi sgt, %jit3A, %sign3A_6 : i32
    %sign3A_8 = arith.extui %sign3A_7 : i1 to i32
    %sign3A_9 = arith.constant 0 : i32
    %sign3A_10 = arith.cmpi slt, %jit3A, %sign3A_9 : i32
    %sign3A_11 = arith.extui %sign3A_10 : i1 to i32
    %sign3A_12 = arith.subi %sign3A_8, %sign3A_11 : i32
    %ne3A = arith.cmpi ne, %sign3A_5, %sign3A_12 : i32
    %rem3A = arith.remsi %arg0, %jit3A : i32
    %ne3A_13 = arith.constant 0 : i32
    %ne3A_14 = arith.cmpi ne, %rem3A, %ne3A_13 : i32
    %and3A = arith.andi %ne3A, %ne3A_14 : i1
    %sub3A = arith.constant 1 : i32
    %sub3A_15 = arith.subi %div3A, %sub3A : i32
    %select_n3A = arith.select %and3A, %sub3A_15, %div3A : i32
    %jit3A_16 = arith.constant 2 : i32
    %eq3A = arith.constant 0 : i32
    %eq3A_17 = arith.cmpi eq, %jit3A_16, %eq3A : i32
    %jit3A_18 = arith.constant 1 : i32
    %select_n3A_19 = arith.select %eq3A_17, %jit3A_18, %jit3A_16 : i32
    %rem3A_20 = arith.remsi %arg0, %select_n3A_19 : i32
    %ne3A_21 = arith.constant 0 : i32
    %ne3A_22 = arith.cmpi ne, %rem3A_20, %ne3A_21 : i32
    %lt3A = arith.constant 0 : i32
    %lt3A_23 = arith.cmpi slt, %rem3A_20, %lt3A : i32
    %lt3A_24 = arith.constant 0 : i32
    %lt3A_25 = arith.cmpi slt, %select_n3A_19, %lt3A_24 : i32
    %ne3A_26 = arith.xori %lt3A_23, %lt3A_25 : i1
    %and3A_27 = arith.andi %ne3A_26, %ne3A_22 : i1
    %add3A = arith.addi %rem3A_20, %select_n3A_19 : i32
    %select_n3A_28 = arith.select %and3A_27, %add3A, %rem3A_20 : i32
    %c0_i32 = arith.constant 0 : i32
    %c0_i32_29 = arith.constant 0 : i32
    return %select_n3A, %c0_i32, %select_n3A_28 : i32, i32, i32
  }
  func.func @transform_3(%arg0: i32) -> (i32, i32) {
    %c0_i32 = arith.constant 0 : i32
    %c0_i32_0 = arith.constant 0 : i32
    %c0_i32_1 = arith.constant 0 : i32
    return %c0_i32, %c0_i32_0 : i32, i32
  }
  func.func @transform_4(%arg0: i32) -> (i32, i32, i32) {
    %jit3A = arith.constant 2 : i32
    %div3A = arith.divsi %arg0, %jit3A : i32
    %sign3A = arith.constant 0 : i32
    %sign3A_0 = arith.cmpi sgt, %arg0, %sign3A : i32
    %sign3A_1 = arith.extui %sign3A_0 : i1 to i32
    %sign3A_2 = arith.constant 0 : i32
    %sign3A_3 = arith.cmpi slt, %arg0, %sign3A_2 : i32
    %sign3A_4 = arith.extui %sign3A_3 : i1 to i32
    %sign3A_5 = arith.subi %sign3A_1, %sign3A_4 : i32
    %sign3A_6 = arith.constant 0 : i32
    %sign3A_7 = arith.cmpi sgt, %jit3A, %sign3A_6 : i32
    %sign3A_8 = arith.extui %sign3A_7 : i1 to i32
    %sign3A_9 = arith.constant 0 : i32
    %sign3A_10 = arith.cmpi slt, %jit3A, %sign3A_9 : i32
    %sign3A_11 = arith.extui %sign3A_10 : i1 to i32
    %sign3A_12 = arith.subi %sign3A_8, %sign3A_11 : i32
    %ne3A = arith.cmpi ne, %sign3A_5, %sign3A_12 : i32
    %rem3A = arith.remsi %arg0, %jit3A : i32
    %ne3A_13 = arith.constant 0 : i32
    %ne3A_14 = arith.cmpi ne, %rem3A, %ne3A_13 : i32
    %and3A = arith.andi %ne3A, %ne3A_14 : i1
    %sub3A = arith.constant 1 : i32
    %sub3A_15 = arith.subi %div3A, %sub3A : i32
    %select_n3A = arith.select %and3A, %sub3A_15, %div3A : i32
    %jit3A_16 = arith.constant 2 : i32
    %eq3A = arith.constant 0 : i32
    %eq3A_17 = arith.cmpi eq, %jit3A_16, %eq3A : i32
    %jit3A_18 = arith.constant 1 : i32
    %select_n3A_19 = arith.select %eq3A_17, %jit3A_18, %jit3A_16 : i32
    %rem3A_20 = arith.remsi %arg0, %select_n3A_19 : i32
    %ne3A_21 = arith.constant 0 : i32
    %ne3A_22 = arith.cmpi ne, %rem3A_20, %ne3A_21 : i32
    %lt3A = arith.constant 0 : i32
    %lt3A_23 = arith.cmpi slt, %rem3A_20, %lt3A : i32
    %lt3A_24 = arith.constant 0 : i32
    %lt3A_25 = arith.cmpi slt, %select_n3A_19, %lt3A_24 : i32
    %ne3A_26 = arith.xori %lt3A_23, %lt3A_25 : i1
    %and3A_27 = arith.andi %ne3A_26, %ne3A_22 : i1
    %add3A = arith.addi %rem3A_20, %select_n3A_19 : i32
    %select_n3A_28 = arith.select %and3A_27, %add3A, %rem3A_20 : i32
    %c0_i32 = arith.constant 0 : i32
    %c0_i32_29 = arith.constant 0 : i32
    return %select_n3A, %c0_i32, %select_n3A_28 : i32, i32, i32
  }
  func.func @transform_5(%arg0: i32) -> (i32, i32) {
    %c0_i32 = arith.constant 0 : i32
    %c0_i32_0 = arith.constant 0 : i32
    %c0_i32_1 = arith.constant 0 : i32
    return %c0_i32, %c0_i32_0 : i32, i32
  }
}

</mosaic_0001>

<sc_bundles>
// kernel: kernel.4.cloned.1.call-start
scs
__scs_entry_jumppad:
0x0: {  	(pc) =	sbr.rel $0x88, $3  }
0x1: {  	(tag) =	ssettag $0x0;
	lr =	simm.s32 $0x1  }
0x2: {  	[smem:$0x3F9F] =	sst lr;
	_ =	strace $0xD0000000  }
0x3: {  	_ = 	snop  }
0x4: {  	_ = 	snop  }
0x5: {  	_ = 	snop  }
0x6: {  	_ = 	snop  }
0x7: {  	_ = 	snop  }
__scs_overlays_trampoline_lowered:
0x8: {  	[smem:$0x3FAE] =	sst s0  }
0x9: {  	[smem:$0x3FAF] =	sst s1  }
0xa: {  	[smem:$0x3FB0] =	sst s2  }
0xb: {  	[smem:$0x3FB1] =	sst s3  }
0xc: {  	[smem:$0x3FB2] =	sst s4  }
0xd: {  	[smem:$0x3FB3] =	sst s5  }
0xe: {  	[smem:$0x3FB4] =	sst s6  }
0xf: {  	[smem:$0x3FB5] =	sst s7  }
0x10: {  	[smem:$0x3FB6] =	sst s8  }
0x11: {  	[smem:$0x3FB7] =	sst s9;
	s0 =	simm.s32 @!p0 $0x0  }
0x12: {  	s1 =	sld [smem:$0x3F9D];
	s0 =	simm.s32 @p0 $0x1  }
0x13: {  	[smem:$0x3FB8] =	sst s0;
	s0 =	simm.s32 @!p1 $0x0  }
0x14: {  	s2 =	sld [smem:$0x3F9C];
	s0 =	simm.s32 @p1 $0x1  }
0x15: {  	[smem:$0x3FB9] =	sst s0;
	s0 =	simm.s32 @!p2 $0x0  }
0x16: {  	s3 =	sld [smem:$0x3FDB];
	s0 =	simm.s32 @p2 $0x1  }
0x17: {  	s4 =	simm.s32 $0x1BF5;
	[smem:$0x3FBB] =	sst s0  }
0x18: {  	s0 =	sld [smem:$0x3F9E];
	_ =	swait.ge [sflag:s4], $0x0  }
0x19: {  	s7 =	sld [smem:$0x3F9F]  }
0x1a: {  	s8 =	sadd.s32 $0xFFFFE003, lr  }
0x1b: {  	s9 =	sadd.s32 $0xFFFFFEF7, lr;
	s5 =	simm.s32 $0xFFFFFFFF;
	p2 =	slt.u32 s8, $0xFFFFF086  }
0x1c: {  	p1 =	slt.u32 s9, $0xF7A;
	s5 =	simm.s32 @!p2 $0x0  }
0x1d: {  	s5 =	simm.s32 @p1 $0x1;
	p0 =	seq.s32 s7, s2  }
0x1e: {  	s7 =	smul.u32 @!p0 $0xF7A, s2;
	p2 =	seq.s32 @!p0 s5, $0x0  }
0x1f: {  	s9 =	smul.u32 $0xF7A, s1;
	s8 =	simm.s32 @!p0 $0x1BF5;
	p2 =	por !p2, p0  }
0x20: {  	[sflag:s8] =	ssyncset.s32 @!p0 $0xFFFFF086;
	s6 =	sadd.s32 @!p0 s3, s7;
	s7 =	simm.s32 @!p0 $0x108  }
0x21: {  	s3 =	sadd.s32 s3, s9;
	s6 =	sadd.s32 @!p0 $0x88, s6;
	s7 =	simm.s32 @p2 $0x1082  }
0x22: {  	[simem:s7], [sflag:s8] =	dma.local @!p0 [hbm:s6], $0xF7A  }
0x23: {  	s9 =	sor.u32 $0xD0000000, s2;
	s6 =	simm.s32 $0x108;
	_ =	swait.ge @!p0 [sflag:s8], $0x0  }
0x24: {  	s3 =	sadd.s32 $0x88, s3;
	s6 =	simm.s32 @!p1 $0x1082;
	[sflag:s4] =	ssyncset.s32 $0xFFFFF086  }
0x25: {  	[simem:s6], [sflag:s4] =	dma.local [hbm:s3], $0xF7A  }
0x26: {  	[smem:$0x3F9F] =	sst s1;
	(tag) =	ssettag s2;
	_ =	strace s9  }
0x27: {  	s1 =	sld [smem:$0x3FAF]  }
0x28: {  	s2 =	sld [smem:$0x3FB0]  }
0x29: {  	s4 =	sld [smem:$0x3FB2]  }
0x2a: {  	p0 =	seq.s32 s5, $0x0;
	s5 =	sld [smem:$0x3FB3]  }
0x2b: {  	s6 =	sld [smem:$0x3FB4]  }
0x2c: {  	s7 =	sld [smem:$0x3FB5]  }
0x2d: {  	s3 =	simm.s32 $0x108;
	s8 =	sld [smem:$0x3FB6]  }
0x2e: {  	s3 =	simm.s32 @!p0 $0x1082;
	s9 =	sld [smem:$0x3FB7]  }
0x2f: {  	lr =	sadd.s32 s0, s3;
	s0 =	sld [smem:$0x3FAE]  }
0x30: {  	s3 =	sld [smem:$0x3FB1]  }
0x31: {  	[smem:$0x3FBA] =	sst s10  }
0x32: {  	s10 =	sld [smem:$0x3FB8];
	_ =	sdelay $0x3  }
0x33: {  	p0 =	seq.s32 s10, $0x1;
	s10 =	sld [smem:$0x3FBA];
	_ =	sdelay $0x3  }
0x34: {  	[smem:$0x3FBA] =	sst s10  }
0x35: {  	s10 =	sld [smem:$0x3FB9];
	_ =	sdelay $0x3  }
0x36: {  	p1 =	seq.s32 s10, $0x1;
	s10 =	sld [smem:$0x3FBA];
	_ =	sdelay $0x3  }
0x37: {  	[smem:$0x3FBA] =	sst s10  }
0x38: {  	s10 =	sld [smem:$0x3FBB]  }
0x39: {  	_ = 	snop;
	(pc) =	sbr.ind lr, $3  }
0x3a: {  	_ = 	snop  }
0x3b: {  	_ = 	snop  }
0x3c: {  	p2 =	seq.s32 s10, $0x1;
	s10 =	sld [smem:$0x3FBA]  }
0x3d: {  	_ =	shalt  }
0x3e: {  	_ =	shalt  }
0x3f: {  	_ =	shalt  }
0x40: {  	_ =	shalt  }
0x41: {  	_ =	shalt  }
0x42: {  	_ =	shalt  }
0x43: {  	_ =	shalt  }
0x44: {  	_ =	shalt  }
0x45: {  	_ =	shalt  }
0x46: {  	_ =	shalt  }
0x47: {  	_ =	shalt  }
0x48: {  	_ =	shalt  }
0x49: {  	_ =	shalt  }
0x4a: {  	_ =	shalt  }
0x4b: {  	_ =	shalt  }
0x4c: {  	_ =	shalt  }
0x4d: {  	_ =	shalt  }
0x4e: {  	_ =	shalt  }
0x4f: {  	_ =	shalt  }
0x50: {  	_ =	shalt  }
0x51: {  	_ =	shalt  }
0x52: {  	_ =	shalt  }
0x53: {  	_ =	shalt  }
0x54: {  	_ =	shalt  }
0x55: {  	_ =	shalt  }
0x56: {  	_ =	shalt  }
0x57: {  	_ =	shalt  }
0x58: {  	_ =	shalt  }
0x59: {  	_ =	shalt  }
0x5a: {  	_ =	shalt  }
0x5b: {  	_ =	shalt  }
0x5c: {  	_ =	shalt  }
0x5d: {  	_ =	shalt  }
0x5e: {  	_ =	shalt  }
0x5f: {  	_ =	shalt  }
0x60: {  	_ =	shalt  }
0x61: {  	_ =	shalt  }
0x62: {  	_ =	shalt  }
0x63: {  	_ =	shalt  }
0x64: {  	_ =	shalt  }
0x65: {  	_ =	shalt  }
0x66: {  	_ =	shalt  }
0x67: {  	_ =	shalt  }
0x68: {  	_ =	shalt  }
0x69: {  	_ =	shalt  }
0x6a: {  	_ =	shalt  }
0x6b: {  	_ =	shalt  }
0x6c: {  	_ =	shalt  }
0x6d: {  	_ =	shalt  }
0x6e: {  	_ =	shalt  }
0x6f: {  	_ =	shalt  }
0x70: {  	_ =	shalt  }
0x71: {  	_ =	shalt  }
0x72: {  	_ =	shalt  }
0x73: {  	_ =	shalt  }
0x74: {  	_ =	shalt  }
0x75: {  	_ =	shalt  }
0x76: {  	_ =	shalt  }
0x77: {  	_ =	shalt  }
0x78: {  	_ =	shalt  }
0x79: {  	_ =	shalt  }
0x7a: {  	_ =	shalt  }
0x7b: {  	_ =	shalt  }
0x7c: {  	_ =	shalt  }
0x7d: {  	_ =	shalt  }
0x7e: {  	_ =	shalt  }
0x7f: {  	_ =	shalt  }
0x80: {  	_ =	shalt  }
0x81: {  	_ =	shalt  }
0x82: {  	_ =	shalt  }
0x83: {  	_ =	shalt  }
0x84: {  	_ =	shalt  }
0x85: {  	_ =	shalt  }
0x86: {  	_ =	shalt  }
0x87: {  	_ =	shalt  }
.Lfunc_end0:
.L_simem_size_0:
called_computation_lowered:
.L_overlay_start_0:
0x88: {  	s2 =	sld [smem:$0x3FD9]  }
0x89: {  	s3 =	sld [smem:$0x3FFE];
	_ =	sdelay $0x1  }
0x8a: {  	s1 =	srdreg.scid  }
0x8b: {  	s0 =	sand.u32 $0x1, s1  }
0x8c: {  	s14 =	sshll.u32 s0, $0xA;
	s2 =	sadd.s32 s3, s2  }
0x8d: {  	s2 =	sadd.s32 s2, s14  }
0x8e: {  	[smem:$0x3FC6] =	sst s2  }
0x8f: {  	_ = 	snop  }
0x90: {  	s2 =	sld [smem:$0x3FD0];
	_ =	sdelay $0x2  }
0x91: {  	s15 =	simm.s32 $0xA;
	s4 =	simm.s32 $0x10  }
0x92: {  	[smem:s4], [sflag:s15] =	dma.local [hbm:s2], $0x1  }
0x93: {  	_ =	swait.eq [sflag:s15], $0x1  }
0x94: {  	[sflag:s15] =	ssyncset.done $0x0  }
0x95: {  	s16 =	sld [smem:$0x10];
	[sflag:s15] =	ssyncadd.s32 $0xFFFFFFFF  }
0x96: {  	s17 =	sld [smem:$0x11];
	(tm) =	ssettm $0x1  }
0x97: {  	s18 =	sld [smem:$0x3FFB];
	_ =	sdelay $0x3  }
0x98: {  	_ =	strace s18  }
0x99: {  	s4 =	sld [smem:$0x3FFC];
	_ =	sdelay $0x3  }
0x9a: {  	_ =	strace s4  }
0x9b: {  	s4 =	sld [smem:$0x3FFD];
	_ =	sdelay $0x3  }
0x9c: {  	_ =	strace s4  }
0x9d: {  	_ =	strace $0x8FFFFFFF  }
0x9e: {  	s19 =	sld [smem:$0x3FDB];
	_ =	sdelay $0x1  }
0x9f: {  	s5 =	simm.s32 $_scs_section_size  }
0xa0: {  	s6 =	simm.s32 $_size__tile_overlayer_lowered;
	s7 =	simm.s32 $_tile_overlayer_lowered  }
0xa1: {  	s22 =	simm.s32 $0x1BFF;
	s21 =	sshll.u32 s7, $0x1;
	s4 =	sadd.s32 s5, s19  }
0xa2: {  	s8 =	simm.s32 $0x0;
	s20 =	sshll.u32 s6, $0x1;
	s6 =	sadd.s32 s21, s4  }
0xa3: {  	[timem:s8], [sflag:s22] =	dma.local [hbm:s6], s20  }
0xa4: {  	_ =	swait.ge [sflag:s22], s20  }
0xa5: {  	s5 =	ssub.s32 $0x0, s20;
	[sflag:s22] =	ssyncset.done $0x0  }
0xa6: {  	[sflag:s22] =	ssyncadd.s32 s5;
	_ =	sdelay $0x1  }
0xa7: {  	s23 =	simm.s32 $0x1B8B  }
0xa8: {  	_ =	swait.ge [sflag:s23], $0x1  }
0xa9: {  	[sflag:s23] =	ssyncset.done $0x0  }
0xaa: {  	s25 =	simm.s32 $0x1B8E;
	s24 =	sld [smem:$0x3FFE];
	[sflag:s23] =	ssyncadd.s32 $0xFFFFFFFF  }
0xab: {  	s26 =	simm.s32 $execute0_lowered;
	[smem:$0x3FD2] =	sst s25  }
0xac: {  	s6 =	sshll.u32 s26, $0x1;
	_ =	strace $0x80000046;
	[dreg:$0x1] =	wrdreg $0xFFFFFFFF  }
0xad: {  	s28 =	simm.s32 $_size_execute0_lowered;
	s4 =	sadd.s32 s4, s6;
	[dreg:$0x0] =	wrdreg $0x0  }
0xae: {  	s6 =	sshll.u32 s28, $0x1;
	[dreg:$0x2] =	wrdreg s4  }
0xaf: {  	[dreg:$0x3] =	wrdreg s6  }
0xb0: {  	[dreg:$0x4] =	wrdreg $0xC0  }
0xb1: {  	_ =	task [dreg:s8], $0x5FFFF  }
0xb2: {  	[dreg:$0x1] =	wrdreg $0xFFFFFFFF  }
0xb3: {  	[dreg:$0x0] =	wrdreg $0x60  }
0xb4: {  	[dreg:$0x2] =	wrdreg s24  }
0xb5: {  	[dreg:$0x3] =	wrdreg s17  }
0xb6: {  	[dreg:$0x4] =	wrdreg s16  }
0xb7: {  	[dreg:$0x5] =	wrdreg $0x9  }
0xb8: {  	_ =	task.clear_ibuf [dreg:s8], $0x6FFFF;
	_ =	strace $0x90000046  }
0xb9: {  	s29 =	simm.s32 $0x9;
	_ =	strace $0x80000048  }
0xba: {  	_ =	swait.ge [sflag:s29], $0x1  }
0xbb: {  	[sflag:s29] =	ssyncadd.s32 $0xFFFFFFFF  }
0xbc: {  	_ =	strace $0x90000048  }
0xbd: {  	_ =	sfence  }
0xbe: {  	s30 =	sld [smem:$0x0];
	_ =	sdelay $0x2  }
0xbf: {  	s31 =	sshll.u32 s1, $0xD;
	s1 =	sshrl.u32 s1, $0x2  }
0xc0: {  	s3 =	sand.u32 $0x4000, s31;
	s1 =	sadd.s32 s1, s30  }
0xc1: {  	s0 =	sor.u32 s3, s0;
	s1 =	sshll.u32 s1, $0x11  }
0xc2: {  	s0 =	sor.u32 s1, s0  }
0xc3: {  	s0 =	sadd.s32 $0x8F2B, s0  }
0xc4: {  	[sflag:s0] =	ssyncadd.remote.s32 $0x1  }
0xc5: {  	_ =	sfence.sel $0xFFFF  }
0xc6: {  	[dreg:$0x0] =	wrdreg $0xFFFFFFFF;
	(pc) =	sbr.abs _section_cstart, $3  }
0xc7: {  	[dreg:$0x1] =	wrdreg $0xFFFFFFFF  }
0xc8: {  	_ =	task.clear_ibuf [dreg:s8], $0x2FFFF;
	_ =	strace $0x9FFFFFFF  }
0xc9: {  	(tm) =	ssettm $0x7FFFFFFF  }
tec
execute0_lowered:
.L_overlay_start_1:
0x0: {  	(tag) =	ssettag $0x1  }
0x1: {  	s1 =	rddreg [dreg:$0x0];
	s2 =	srdreg.scid  }
0x2: {  	s10 =	rddreg [dreg:$0x1];
	s0 =	stileid.u32;
	s18 =	sand.u32 $0x1, s2  }
0x3: {  	s17 =	rddreg [dreg:$0x2];
	s4 =	sshll.u32 s0, $0xA;
	s5 =	sshll.u32 s18, $0x9  }
0x4: {  	s3 =	simm.s32 $0x0;
	s2 =	rddreg [dreg:$0x3];
	s14 =	sor.u32 s5, s4  }
0x5: {  	[smem:$0x7FF] =	sst s3;
	s4 =	sshrl.u32 s14, $0x3  }
0x6: {  	_ =	strace $0x80000047;
	s5 =	sadd.s32 s10, s4;
	s4 =	simm.s32 $0x2  }
0x7: {  	[tilespmem:s3], [sflag:$0x2] =	stream.linear.gather [hbm4b:s5+s3], $0x80, $0x38;
	[tilespmem:$0x1200] =	vst v63  }
0x8: {  	s15 =	sor.u32 $0x80, s14;
	_ =	swait.ge [sflag:s4], $0x80  }
0x9: {  	s6 =	sshrl.u32 s15, $0x3;
	[sflag:s4] =	ssyncset.done $0x0  }
0xa: {  	s7 =	simm.s32 $0x80;
	s6 =	sadd.s32 s10, s6;
	[sflag:s4] =	ssyncadd.s32 $0xFFFFFF80  }
0xb: {  	[tilespmem:s7], [sflag:$0x2] =	stream.linear.gather [hbm4b:s6+s3], $0x80, $0x38;
	[tilespmem:$0x1200] =	vst v63  }
0xc: {  	s16 =	sor.u32 $0x100, s14;
	_ =	swait.ge [sflag:s4], $0x80  }
0xd: {  	s8 =	sshrl.u32 s16, $0x3;
	[sflag:s4] =	ssyncset.done $0x0  }
0xe: {  	s9 =	simm.s32 $0x100;
	s8 =	sadd.s32 s10, s8;
	[sflag:s4] =	ssyncadd.s32 $0xFFFFFF80  }
0xf: {  	[tilespmem:s9], [sflag:$0x2] =	stream.linear.gather [hbm4b:s8+s3], $0x80, $0x38;
	[tilespmem:$0x1200] =	vst v63  }
0x10: {  	s19 =	sor.u32 $0x180, s14;
	_ =	swait.ge [sflag:s4], $0x80  }
0x11: {  	s11 =	sshrl.u32 s19, $0x3;
	[sflag:s4] =	ssyncset.done $0x0  }
0x12: {  	s10 =	sadd.s32 s10, s11;
	s11 =	simm.s32 $0x180;
	[sflag:s4] =	ssyncadd.s32 $0xFFFFFF80  }
0x13: {  	[tilespmem:s11], [sflag:$0x2] =	stream.linear.gather [hbm4b:s10+s3], $0x80, $0x38;
	[tilespmem:$0x1200] =	vst v63  }
0x14: {  	_ =	swait.ge [sflag:s4], $0x80  }
0x15: {  	[sflag:s4] =	ssyncset.done $0x0  }
0x16: {  	s12 =	simm.s32 $0x200;
	s13 =	simm.s32 $0x1;
	[sflag:s4] =	ssyncadd.s32 $0xFFFFFF80  }
0x17: {  	[tilespmem:s12], [sflag:$0x1] =	stream.indirect.gather [hbm4b:s1+s7], $0x20, s3, s7, $0xb8;
	[tilespmem:$0x1200] =	vst v63  }
0x18: {  	_ =	swait.ge [sflag:s13], $0x1000  }
0x19: {  	s14 =	sshll.u32 s14, $0x2;
	[sflag:s13] =	ssyncset.done $0x0  }
0x1a: {  	s14 =	sadd.s32 s17, s14;
	[sflag:s13] =	ssyncadd.s32 $0xFFFFF000  }
0x1b: {  	[hbm4b:s14+s3] =	stream.linear.scatter [tilespmem:s12], [sflag:$0x2], $0x1000, $0x38;
	[tilespmem:$0x1200] =	vst v63  }
0x1c: {  	_ =	swait.ge [sflag:s4], $0x1000  }
0x1d: {  	[sflag:s4] =	ssyncset.done $0x0  }
0x1e: {  	[sflag:s4] =	ssyncadd.s32 $0xFFFFF000  }
0x1f: {  	[tilespmem:s12], [sflag:$0x1] =	stream.indirect.gather [hbm4b:s1+s7], $0x20, s7, s7, $0xb8;
	[tilespmem:$0x1200] =	vst v63  }
0x20: {  	_ =	swait.ge [sflag:s13], $0x1000  }
0x21: {  	s15 =	sshll.u32 s15, $0x2;
	[sflag:s13] =	ssyncset.done $0x0  }
0x22: {  	s15 =	sadd.s32 s17, s15;
	[sflag:s13] =	ssyncadd.s32 $0xFFFFF000  }
0x23: {  	[hbm4b:s15+s3] =	stream.linear.scatter [tilespmem:s12], [sflag:$0x2], $0x1000, $0x38;
	[tilespmem:$0x1200] =	vst v63  }
0x24: {  	_ =	swait.ge [sflag:s4], $0x1000  }
0x25: {  	[sflag:s4] =	ssyncset.done $0x0  }
0x26: {  	[sflag:s4] =	ssyncadd.s32 $0xFFFFF000  }
0x27: {  	[tilespmem:s12], [sflag:$0x1] =	stream.indirect.gather [hbm4b:s1+s7], $0x20, s9, s7, $0xb8;
	[tilespmem:$0x1200] =	vst v63  }
0x28: {  	_ =	swait.ge [sflag:s13], $0x1000  }
0x29: {  	s16 =	sshll.u32 s16, $0x2;
	[sflag:s13] =	ssyncset.done $0x0  }
0x2a: {  	s18 =	ssub.s32 $0x2, s18;
	s16 =	sadd.s32 s17, s16;
	[sflag:s13] =	ssyncadd.s32 $0xFFFFF000  }
0x2b: {  	[hbm4b:s16+s3] =	stream.linear.scatter [tilespmem:s12], [sflag:$0x2], $0x1000, $0x38;
	[tilespmem:$0x1200] =	vst v63  }
0x2c: {  	s20 =	sshrl.u32 s18, $0x1;
	_ =	swait.ge [sflag:s4], $0x1000  }
0x2d: {  	s18 =	ssub.s32 s18, s20;
	[sflag:s4] =	ssyncset.done $0x0  }
0x2e: {  	s18 =	smax.u32 s18, $0x1;
	[sflag:s4] =	ssyncadd.s32 $0xFFFFF000  }
0x2f: {  	[tilespmem:s12], [sflag:$0x1] =	stream.indirect.gather [hbm4b:s1+s7], $0x20, s11, s7, $0xb8;
	[tilespmem:$0x1200] =	vst v63  }
0x30: {  	p0 =	sne.s32 s18, $0x1;
	_ =	swait.ge [sflag:s13], $0x1000  }
.Ltmp0:
0x31: {  	s19 =	sshll.u32 s19, $0x2;
	[sflag:s13] =	ssyncset.done $0x0;
	(pc) =	sbr.rel @!p0 .LBB2_2-.Ltmp0, $4  }
0x32: {  	s17 =	sadd.s32 s17, s19;
	[sflag:s13] =	ssyncadd.s32 $0xFFFFF000  }
0x33: {  	[hbm4b:s17+s3] =	stream.linear.scatter [tilespmem:s12], [sflag:$0x2], $0x1000, $0x38;
	[tilespmem:$0x1200] =	vst v63  }
0x34: {  	_ =	swait.ge [sflag:s4], $0x1000  }
0x35: {  	s18 =	sadd.s32 $0xFFFFFFFF, s18;
	[sflag:s4] =	ssyncset.done $0x0  }
.LBB2_1:
0x36: {  	p0 =	sne.s32 s18, $0x1;
	s18 =	sadd.s32 $0xFFFFFFFF, s18;
	[sflag:s4] =	ssyncadd.s32 $0xFFFFF000  }
0x37: {  	[tilespmem:s3], [sflag:$0x2] =	stream.linear.gather [hbm4b:s5+s3], $0x80, $0x38;
	[tilespmem:$0x1200] =	vst v63  }
0x38: {  	_ =	swait.ge [sflag:s4], $0x80  }
0x39: {  	[sflag:s4] =	ssyncset.done $0x0  }
0x3a: {  	[sflag:s4] =	ssyncadd.s32 $0xFFFFFF80  }
0x3b: {  	[tilespmem:s7], [sflag:$0x2] =	stream.linear.gather [hbm4b:s6+s3], $0x80, $0x38;
	[tilespmem:$0x1200] =	vst v63  }
0x3c: {  	_ =	swait.ge [sflag:s4], $0x80  }
0x3d: {  	[sflag:s4] =	ssyncset.done $0x0  }
0x3e: {  	[sflag:s4] =	ssyncadd.s32 $0xFFFFFF80  }
0x3f: {  	[tilespmem:s9], [sflag:$0x2] =	stream.linear.gather [hbm4b:s8+s3], $0x80, $0x38;
	[tilespmem:$0x1200] =	vst v63  }
0x40: {  	_ =	swait.ge [sflag:s4], $0x80  }
0x41: {  	[sflag:s4] =	ssyncset.done $0x0  }
0x42: {  	[sflag:s4] =	ssyncadd.s32 $0xFFFFFF80  }
0x43: {  	[tilespmem:s11], [sflag:$0x2] =	stream.linear.gather [hbm4b:s10+s3], $0x80, $0x38;
	[tilespmem:$0x1200] =	vst v63  }
0x44: {  	_ =	swait.ge [sflag:s4], $0x80  }
0x45: {  	[sflag:s4] =	ssyncset.done $0x0  }
0x46: {  	[sflag:s4] =	ssyncadd.s32 $0xFFFFFF80  }
0x47: {  	[tilespmem:s12], [sflag:$0x1] =	stream.indirect.gather [hbm4b:s1+s7], $0x20, s3, s7, $0xb8;
	[tilespmem:$0x1200] =	vst v63  }
0x48: {  	_ =	swait.ge [sflag:s13], $0x1000  }
0x49: {  	[sflag:s13] =	ssyncset.done $0x0  }
0x4a: {  	[sflag:s13] =	ssyncadd.s32 $0xFFFFF000  }
0x4b: {  	[hbm4b:s14+s3] =	stream.linear.scatter [tilespmem:s12], [sflag:$0x2], $0x1000, $0x38;
	[tilespmem:$0x1200] =	vst v63  }
0x4c: {  	_ =	swait.ge [sflag:s4], $0x1000  }
0x4d: {  	[sflag:s4] =	ssyncset.done $0x0  }
0x4e: {  	[sflag:s4] =	ssyncadd.s32 $0xFFFFF000  }
0x4f: {  	[tilespmem:s12], [sflag:$0x1] =	stream.indirect.gather [hbm4b:s1+s7], $0x20, s7, s7, $0xb8;
	[tilespmem:$0x1200] =	vst v63  }
0x50: {  	_ =	swait.ge [sflag:s13], $0x1000  }
0x51: {  	[sflag:s13] =	ssyncset.done $0x0  }
0x52: {  	[sflag:s13] =	ssyncadd.s32 $0xFFFFF000  }
0x53: {  	[hbm4b:s15+s3] =	stream.linear.scatter [tilespmem:s12], [sflag:$0x2], $0x1000, $0x38;
	[tilespmem:$0x1200] =	vst v63  }
0x54: {  	_ =	swait.ge [sflag:s4], $0x1000  }
0x55: {  	[sflag:s4] =	ssyncset.done $0x0  }
0x56: {  	[sflag:s4] =	ssyncadd.s32 $0xFFFFF000  }
0x57: {  	[tilespmem:s12], [sflag:$0x1] =	stream.indirect.gather [hbm4b:s1+s7], $0x20, s9, s7, $0xb8;
	[tilespmem:$0x1200] =	vst v63  }
0x58: {  	_ =	swait.ge [sflag:s13], $0x1000  }
0x59: {  	[sflag:s13] =	ssyncset.done $0x0  }
0x5a: {  	[sflag:s13] =	ssyncadd.s32 $0xFFFFF000  }
0x5b: {  	[hbm4b:s16+s3] =	stream.linear.scatter [tilespmem:s12], [sflag:$0x2], $0x1000, $0x38;
	[tilespmem:$0x1200] =	vst v63  }
0x5c: {  	_ =	swait.ge [sflag:s4], $0x1000  }
0x5d: {  	[sflag:s4] =	ssyncset.done $0x0  }
0x5e: {  	[sflag:s4] =	ssyncadd.s32 $0xFFFFF000  }
0x5f: {  	[tilespmem:s12], [sflag:$0x1] =	stream.indirect.gather [hbm4b:s1+s7], $0x20, s11, s7, $0xb8;
	[tilespmem:$0x1200] =	vst v63  }
0x60: {  	_ =	swait.ge [sflag:s13], $0x1000  }
.Ltmp1:
0x61: {  	[sflag:s13] =	ssyncset.done $0x0;
	(pc) =	sbr.rel @p0 .LBB2_1-.Ltmp1, $4  }
0x62: {  	[sflag:s13] =	ssyncadd.s32 $0xFFFFF000  }
0x63: {  	[hbm4b:s17+s3] =	stream.linear.scatter [tilespmem:s12], [sflag:$0x2], $0x1000, $0x38;
	[tilespmem:$0x1200] =	vst v63  }
0x64: {  	_ =	swait.ge [sflag:s4], $0x1000  }
0x65: {  	[sflag:s4] =	ssyncset.done $0x0  }
.LBB2_2:
0x66: {  	[sflag:s4] =	ssyncadd.s32 $0xFFFFF000  }
0x67: {  	_ =	sfence.sel $0x180000  }
0x68: {  	[bflag:$0x0] =	sbarrier.arrive $0xFFFF  }
0x69: {  	p0 =	sne.s32 s0, $0x0;
	_ =	strace $0x90000047  }
0x6a: {  	s0 =	sadd.s32 @!p0 $0x100000, s2;
	[bflag:$0x2] =	sbarrier.arrive $0xFFFF  }
0x6b: {  	[sflag:s0] =	ssyncadd.tile.s32 @!p0 $0x1;
	_ =	shalt  }
.Lfunc_end2:
_tile_overlayer_lowered:
.L_overlay_start_2:
0x6c: {  	(tag) =	ssettag $0x2  }
0x6d: {  	s0 =	rddreg [dreg:$0x0];
	s2 =	stileid.u32  }
0x6e: {  	s1 =	rddreg [dreg:$0x1];
	p0 =	sne.s32 s2, $0x0  }
0x6f: {  	s3 =	rddreg [dreg:$0x2];
	[bflag:$0x3] =	sbarrier.arrive $0xFFFF;
	s2 =	simm.s32 @!p0 $0x1C02  }
0x70: {  	[timem:s3], [sflag:s2] =	dma.local @!p0 [hbm:s0], s1  }
0x71: {  	s0 =	simm.s32 @!p0 $0x2  }
0x72: {  	_ =	swait.ge @!p0 [sflag:s0], s1  }
0x73: {  	s1 =	ssub.s32 @!p0 $0x0, s1;
	[sflag:s0] =	ssyncset.done @!p0 $0x0  }
0x74: {  	[sflag:s0] =	ssyncadd.s32 @!p0 s1  }
0x75: {  	[bflag:$0x3] =	sbarrier.arrive $0xFFFF  }
0x76: {  	_ =	shalt  }

</sc_bundles>
